<compile_context>
chip_gen: v7x
topology: tpu7x:2x2x1
jax: 0.10.2.dev20260603
libtpu: 0.0.44.dev20260713+nightly
codegen_flags: <defaults>
</compile_context>

<pallas_src>
import functools

import jax
import jax.numpy as jnp
from jax import lax
from jax.experimental import pallas as pl
from jax.experimental.pallas import tpu as pltpu
from jax.experimental.pallas import tpu_sc as plsc

_L = 16


def _lane_allmax(v, scratch):
    iota = jnp.arange(_L, dtype=jnp.int32)
    for k in (8, 4, 2, 1):
        scratch[...] = v
        g = plsc.load_gather(scratch, [jnp.bitwise_xor(iota, k)])
        v = jnp.maximum(v, g)
    return v


def _sc_prelude_body(B, H, W, half, mask_hbm, table_hbm, out_hbm,
                     mask_v, rs_v, stage_v, perm_v, idx_v, rows_v,
                     shared_v, sem):
    nc = 2
    c = lax.axis_index("c")
    s = lax.axis_index("s")
    b = c * (B // nc) + lax.rem(s, 8)
    hhalf = s // 8
    rows_per_w = H // 2
    nchunk = W // _L
    iota = jnp.arange(_L, dtype=jnp.int32)

    pltpu.sync_copy(mask_hbm.at[b, pl.ds(hhalf * rows_per_w, rows_per_w)],
                    mask_v)

    def h_body(h, cacc):
        chunks = [mask_v[h, pl.ds(_L * j, _L)] for j in range(nchunk)]
        rtot = chunks[0]
        for ch in chunks[1:]:
            rtot = rtot + ch
        rs_v[h, :] = rtot
        return tuple(a + ch for a, ch in zip(cacc, chunks))

    zero = jnp.zeros((_L,), jnp.float32)
    cacc = lax.fori_loop(0, rows_per_w, h_body, (zero,) * nchunk)

    rmax = zero
    for g in range(rows_per_w // _L):
        rws = g * _L + iota
        tot = plsc.load_gather(rs_v, [rws, jnp.full((_L,), 0, jnp.int32)])
        for j in range(1, _L):
            tot = tot + plsc.load_gather(
                rs_v, [rws, jnp.full((_L,), j, jnp.int32)])
        rmax = jnp.maximum(rmax, tot)

    for j in range(nchunk):
        stage_v[pl.ds(_L * j, _L)] = cacc[j]
    stage_v[pl.ds(_L * nchunk, _L)] = rmax
    pltpu.sync_copy(stage_v, shared_v.at[c * _L + s])
    plsc.subcore_barrier()

    @pl.when(s < 8)
    def _():
        pltpu.sync_copy(shared_v.at[c * _L + s + 8], stage_v)
        cmax = cacc[0] + stage_v[pl.ds(0, _L)]
        for j in range(1, nchunk):
            cmax = jnp.maximum(cmax, cacc[j] + stage_v[pl.ds(_L * j, _L)])
        s1v = _lane_allmax(cmax, perm_v)
        rmax2 = jnp.maximum(rmax, stage_v[pl.ds(_L * nchunk, _L)])
        s2v = _lane_allmax(rmax2, perm_v)

        s1i = jnp.clip(s1v.astype(jnp.int32), 0, H - 1)
        s2i = jnp.clip(s2v.astype(jnp.int32), 0, W - 1)
        idx_v[...] = s1i * W + s2i
        pltpu.async_copy(table_hbm.at[idx_v], rows_v, sem).wait()
        pltpu.sync_copy(rows_v.at[0], out_hbm.at[b, 0])


@functools.lru_cache(maxsize=None)
def _make_sc_prelude(B, H, W, half):
    mesh = plsc.VectorSubcoreMesh(core_axis_name="c", subcore_axis_name="s")
    nstage = W // _L + 1
    return functools.partial(
        pl.kernel,
        mesh=mesh,
        compiler_params=pltpu.CompilerParams(needs_layout_passes=False),
        out_type=jax.ShapeDtypeStruct((B, 1, half), jnp.float32),
        scratch_types=[
            pltpu.VMEM((H // 2, W), jnp.float32),
            pltpu.VMEM((H // 2, _L), jnp.float32),
            pltpu.VMEM((nstage * _L,), jnp.float32),
            pltpu.VMEM((_L,), jnp.float32),
            pltpu.VMEM((_L,), jnp.int32),
            pltpu.VMEM((_L, half), jnp.float32),
            pltpu.VMEM_SHARED((32, nstage * _L), jnp.float32),
            pltpu.SemaphoreType.DMA,
        ],
    )(functools.partial(_sc_prelude_body, B, H, W, half))


def _dense_body(mask_ref, table_ref, size_ref, out_ref):
    m = mask_ref[0][..., None]
    t = table_ref[...]
    s = size_ref[0, 0, :]
    half = t.shape[-1]
    out_ref[0, :, :, :half] = t * m
    out_ref[0, :, :, half:] = s[None, None, :] * m


def kernel(mask, precomputed_encodings):
    B, H, W = mask.shape
    half = precomputed_encodings.shape[-1]

    table2 = precomputed_encodings.reshape(H * W, half)
    size_enc = _make_sc_prelude(B, H, W, half)(mask, table2)

    Hb = 64
    grid = (H // Hb, B)
    out = pl.pallas_call(
        _dense_body,
        grid=grid,
        in_specs=[
            pl.BlockSpec((1, Hb, W), lambda h, b: (b, h, 0)),
            pl.BlockSpec((Hb, W, half), lambda h, b: (h, 0, 0)),
            pl.BlockSpec((1, 1, half), lambda h, b: (b, 0, 0)),
        ],
        out_specs=pl.BlockSpec((1, Hb, W, 2 * half), lambda h, b: (b, h, 0, 0)),
        out_shape=jax.ShapeDtypeStruct((B, H, W, 2 * half), jnp.float32),
    )(mask, precomputed_encodings, size_enc)
    return out

# --- scband reference (transcript-rebuilt; emitter-appended) ---
"""Pipeline reference for scband-positional-encodings-21861383536897 (READ-ONLY COPY).

The authoritative reference and input builder live on the scoring server;
editing this copy changes nothing except your own understanding.
"""

import jax, jax.numpy as jnp
import numpy as np

EMBEDDING_DIM = 256
MAX_DIM_SIZES = [128, 128]
NUM_DIMS = 2
INTERMEDIATE_DIM = EMBEDDING_DIM // (2 * NUM_DIMS)  # 64
GEN_TERM = 10000.0


def sinusoidal_gen(length, dim, base):
    # Standard sinusoidal positional encoding generator (length, dim)
    pos = np.arange(length, dtype=np.float64)[:, None]
    i = np.arange(dim // 2, dtype=np.float64)[None, :]
    angle = pos / np.power(base, 2.0 * i / float(dim))
    enc = np.zeros((length, dim), dtype=np.float32)
    enc[:, 0::2] = np.sin(angle)
    enc[:, 1::2] = np.cos(angle)
    return enc


def build_precomputed():
    # Mirrors PositionalEncodings.__init__: meshgrid over dims, gather per-dim
    # encodings, concat along the feature axis -> (128, 128, embedding_dim // 2)
    indices = np.meshgrid(*[np.arange(l) for l in MAX_DIM_SIZES], indexing='ij')
    per_dim = [sinusoidal_gen(l, INTERMEDIATE_DIM, GEN_TERM) for l in MAX_DIM_SIZES]
    encs = [p[idx] for p, idx in zip(per_dim, indices)]
    return jnp.asarray(np.concatenate(encs, axis=-1))


def setup_inputs(seed: int = 0) -> dict:
    key = jax.random.key(seed)
    mask = jax.random.uniform(key, (16, 128, 128), dtype=jnp.float32)
    precomputed_encodings = build_precomputed()  # (128, 128, 128)
    return {"mask": mask, "precomputed_encodings": precomputed_encodings}


def reference(mask, precomputed_encodings):
    B, H, W = mask.shape
    half = precomputed_encodings.shape[-1]
    # positional part: slice precomputed table to mask's spatial extent
    pos = precomputed_encodings[:H, :W, :]
    pos = jnp.broadcast_to(pos[None], (B, H, W, half))
    # compute_shape_size: per-batch max of per-dimension mask sums
    s1 = jnp.max(mask.sum(axis=1).reshape(B, -1), axis=-1).astype(jnp.int32)
    s2 = jnp.max(mask.sum(axis=2).reshape(B, -1), axis=-1).astype(jnp.int32)
    # size encoding: gather one row of the table per batch element
    size_enc = precomputed_encodings[s1, s2, :]  # (B, half)
    size_enc = jnp.broadcast_to(size_enc[:, None, None, :], (B, H, W, half))
    out = jnp.concatenate([pos, size_enc], axis=-1)  # (B, H, W, EMBEDDING_DIM)
    out = out * mask[..., None]
    return out

if __name__ == "__main__":
    import jax
    _d = setup_inputs()
    print(jax.jit(kernel)(*tuple(_d.values())))

</pallas_src>

<mosaic_0001>
#map = affine_map<(d0, d1) -> (0, 0, 0)>
#map1 = affine_map<(d0, d1) -> (0, 0)>
module attributes {stable_mosaic.version = 14 : i64} {
  func.func @_sc_prelude_body(%arg0: i32, %arg1: i32, %arg2: memref<16x128x128xf32, #tpu.memory_space<hbm>>, %arg3: memref<16384x128xf32, #tpu.memory_space<hbm>>, %arg4: memref<16x1x128xf32, #tpu.memory_space<hbm>>, %arg5: memref<64x128xf32, #tpu.memory_space<vmem>>, %arg6: memref<64x16xf32, #tpu.memory_space<vmem>>, %arg7: memref<144xf32, #tpu.memory_space<vmem>>, %arg8: memref<16xf32, #tpu.memory_space<vmem>>, %arg9: memref<16xi32, #tpu.memory_space<vmem>>, %arg10: memref<16x128xf32, #tpu.memory_space<vmem>>, %arg11: memref<32x144xf32, #tpu.memory_space<vmem_shared>>, %arg12: memref<!tpu.dma_semaphore, #tpu.memory_space<semaphore_mem>>) attributes {dimension_semantics = [#tpu.dimension_semantics<core_parallel>, #tpu.dimension_semantics<subcore_parallel>], iteration_bounds = array<i64: 2, 16>, scalar_prefetch = 0 : i64, scratch_operands = 8 : i64, tpu.core_type = #tpu.core_type<sc_vector_subcore>, window_params = [{transform_indices = #map}, {transform_indices = #map1}, {transform_indices = #map}]} {
    %mul3A = arith.constant 8 : i32
    %mul3A_0 = arith.muli %arg0, %mul3A : i32
    %rem3A = arith.constant 8 : i32
    %rem3A_1 = arith.remsi %arg1, %rem3A : i32
    %add3A = arith.addi %mul3A_0, %rem3A_1 : i32
    %jit3A = arith.constant 8 : i32
    %div3A = arith.divsi %arg1, %jit3A : i32
    %sign3A = arith.constant 0 : i32
    %sign3A_2 = arith.cmpi sgt, %arg1, %sign3A : i32
    %sign3A_3 = arith.extui %sign3A_2 : i1 to i32
    %sign3A_4 = arith.constant 0 : i32
    %sign3A_5 = arith.cmpi slt, %arg1, %sign3A_4 : i32
    %sign3A_6 = arith.extui %sign3A_5 : i1 to i32
    %sign3A_7 = arith.subi %sign3A_3, %sign3A_6 : i32
    %sign3A_8 = arith.constant 0 : i32
    %sign3A_9 = arith.cmpi sgt, %jit3A, %sign3A_8 : i32
    %sign3A_10 = arith.extui %sign3A_9 : i1 to i32
    %sign3A_11 = arith.constant 0 : i32
    %sign3A_12 = arith.cmpi slt, %jit3A, %sign3A_11 : i32
    %sign3A_13 = arith.extui %sign3A_12 : i1 to i32
    %sign3A_14 = arith.subi %sign3A_10, %sign3A_13 : i32
    %ne3A = arith.cmpi ne, %sign3A_7, %sign3A_14 : i32
    %rem3A_15 = arith.remsi %arg1, %jit3A : i32
    %ne3A_16 = arith.constant 0 : i32
    %ne3A_17 = arith.cmpi ne, %rem3A_15, %ne3A_16 : i32
    %and3A = arith.andi %ne3A, %ne3A_17 : i1
    %sub3A = arith.constant 1 : i32
    %sub3A_18 = arith.subi %div3A, %sub3A : i32
    %select_n3A = arith.select %and3A, %sub3A_18, %div3A : i32
    %iota3A = tpu.iota {dimensions = array<i32: 0>} : vector<16xi32>
    %mul3A_19 = arith.constant 64 : i32
    %mul3A_20 = arith.muli %select_n3A, %mul3A_19 : i32
    "tpu.region"() ({
      %run_scoped3A = tpu.sem_alloc : memref<!tpu.dma_semaphore, #tpu.memory_space<semaphore_mem>>
      %dma_start3A = arith.constant 0 : i32
      %dma_start3A_315 = tpu.memref_slice %arg2[%add3A, %mul3A_20, %dma_start3A] : memref<16x128x128xf32, #tpu.memory_space<hbm>> -> memref<1x64x128xf32, #tpu.memory_space<hbm>>
      %dma_start3A_316 = tpu.memref_squeeze %dma_start3A_315 : memref<1x64x128xf32, #tpu.memory_space<hbm>> -> memref<64x128xf32, #tpu.memory_space<hbm>>
      %dma_start3A_317 = arith.constant 0 : i32
      %dma_start3A_318 = tpu.memref_slice %arg2[%add3A, %mul3A_20, %dma_start3A_317] : memref<16x128x128xf32, #tpu.memory_space<hbm>> -> memref<1x64x128xf32, #tpu.memory_space<hbm>>
      %dma_start3A_319 = tpu.memref_squeeze %dma_start3A_318 : memref<1x64x128xf32, #tpu.memory_space<hbm>> -> memref<64x128xf32, #tpu.memory_space<hbm>>
      tpu.enqueue_dma source(%dma_start3A_319 : memref<64x128xf32, #tpu.memory_space<hbm>>) target(%arg5 : memref<64x128xf32, #tpu.memory_space<vmem>>) target_semaphore(%run_scoped3A : memref<!tpu.dma_semaphore, #tpu.memory_space<semaphore_mem>>)
      %dma_wait3A = arith.constant 0 : i32
      %dma_wait3A_320 = tpu.memref_slice %arg2[%add3A, %mul3A_20, %dma_wait3A] : memref<16x128x128xf32, #tpu.memory_space<hbm>> -> memref<1x64x128xf32, #tpu.memory_space<hbm>>
      %dma_wait3A_321 = tpu.memref_squeeze %dma_wait3A_320 : memref<1x64x128xf32, #tpu.memory_space<hbm>> -> memref<64x128xf32, #tpu.memory_space<hbm>>
      %dma_wait3A_322 = arith.constant 0 : i32
      %dma_wait3A_323 = tpu.memref_slice %arg2[%add3A, %mul3A_20, %dma_wait3A_322] : memref<16x128x128xf32, #tpu.memory_space<hbm>> -> memref<1x64x128xf32, #tpu.memory_space<hbm>>
      %dma_wait3A_324 = tpu.memref_squeeze %dma_wait3A_323 : memref<1x64x128xf32, #tpu.memory_space<hbm>> -> memref<64x128xf32, #tpu.memory_space<hbm>>
      tpu.wait_dma2 semaphore(%run_scoped3A : memref<!tpu.dma_semaphore, #tpu.memory_space<semaphore_mem>>) src(%dma_wait3A_324 : memref<64x128xf32, #tpu.memory_space<hbm>>) dst(%arg5 : memref<64x128xf32, #tpu.memory_space<vmem>>)
      tpu.yield
    }) : () -> ()
    %broadcast_in_dim3A = arith.constant 0.000000e+00 : f32
    %broadcast_in_dim3A_21 = vector.broadcast %broadcast_in_dim3A : f32 to vector<16xf32>
    %scan3A = arith.constant 0 : i32
    %scan3A_22 = arith.constant 64 : i32
    %scan3A_23 = arith.addi %scan3A, %scan3A_22 : i32
    %scan3A_24 = arith.constant 1 : i32
    %scan3A_25:8 = scf.for %scan3A_315 = %scan3A to %scan3A_23 step %scan3A_24 iter_args(%scan3A_316 = %broadcast_in_dim3A_21, %scan3A_317 = %broadcast_in_dim3A_21, %scan3A_318 = %broadcast_in_dim3A_21, %scan3A_319 = %broadcast_in_dim3A_21, %scan3A_320 = %broadcast_in_dim3A_21, %scan3A_321 = %broadcast_in_dim3A_21, %scan3A_322 = %broadcast_in_dim3A_21, %scan3A_323 = %broadcast_in_dim3A_21) -> (vector<16xf32>, vector<16xf32>, vector<16xf32>, vector<16xf32>, vector<16xf32>, vector<16xf32>, vector<16xf32>, vector<16xf32>)  : i32 {
      %get3A = arith.index_cast %scan3A_315 : i32 to index
      %get3A_324 = arith.constant 0 : index
      %get3A_325 = tpu.vector_load %arg5[%get3A, %get3A_324] {strides = array<i32>} : memref<64x128xf32, #tpu.memory_space<vmem>>, vector<16xf32>,
      %get3A_326 = arith.index_cast %scan3A_315 : i32 to index
      %get3A_327 = arith.constant 16 : index
      %get3A_328 = tpu.vector_load %arg5[%get3A_326, %get3A_327] {strides = array<i32>} : memref<64x128xf32, #tpu.memory_space<vmem>>, vector<16xf32>,
      %get3A_329 = arith.index_cast %scan3A_315 : i32 to index
      %get3A_330 = arith.constant 32 : index
      %get3A_331 = tpu.vector_load %arg5[%get3A_329, %get3A_330] {strides = array<i32>} : memref<64x128xf32, #tpu.memory_space<vmem>>, vector<16xf32>,
      %get3A_332 = arith.index_cast %scan3A_315 : i32 to index
      %get3A_333 = arith.constant 48 : index
      %get3A_334 = tpu.vector_load %arg5[%get3A_332, %get3A_333] {strides = array<i32>} : memref<64x128xf32, #tpu.memory_space<vmem>>, vector<16xf32>,
      %get3A_335 = arith.index_cast %scan3A_315 : i32 to index
      %get3A_336 = arith.constant 64 : index
      %get3A_337 = tpu.vector_load %arg5[%get3A_335, %get3A_336] {strides = array<i32>} : memref<64x128xf32, #tpu.memory_space<vmem>>, vector<16xf32>,
      %get3A_338 = arith.index_cast %scan3A_315 : i32 to index
      %get3A_339 = arith.constant 80 : index
      %get3A_340 = tpu.vector_load %arg5[%get3A_338, %get3A_339] {strides = array<i32>} : memref<64x128xf32, #tpu.memory_space<vmem>>, vector<16xf32>,
      %get3A_341 = arith.index_cast %scan3A_315 : i32 to index
      %get3A_342 = arith.constant 96 : index
      %get3A_343 = tpu.vector_load %arg5[%get3A_341, %get3A_342] {strides = array<i32>} : memref<64x128xf32, #tpu.memory_space<vmem>>, vector<16xf32>,
      %get3A_344 = arith.index_cast %scan3A_315 : i32 to index
      %get3A_345 = arith.constant 112 : index
      %get3A_346 = tpu.vector_load %arg5[%get3A_344, %get3A_345] {strides = array<i32>} : memref<64x128xf32, #tpu.memory_space<vmem>>, vector<16xf32>,
      %add3A_347 = arith.addf %get3A_325, %get3A_328 : vector<16xf32>
      %add3A_348 = arith.addf %add3A_347, %get3A_331 : vector<16xf32>
      %add3A_349 = arith.addf %add3A_348, %get3A_334 : vector<16xf32>
      %add3A_350 = arith.addf %add3A_349, %get3A_337 : vector<16xf32>
      %add3A_351 = arith.addf %add3A_350, %get3A_340 : vector<16xf32>
      %add3A_352 = arith.addf %add3A_351, %get3A_343 : vector<16xf32>
      %add3A_353 = arith.addf %add3A_352, %get3A_346 : vector<16xf32>
      %swap3A_354 = arith.index_cast %scan3A_315 : i32 to index
      %swap3A_355 = arith.constant 0 : index
      %swap3A_356 = tpu.vector_load %arg6[%swap3A_354, %swap3A_355] {strides = array<i32>} : memref<64x16xf32, #tpu.memory_space<vmem>>, vector<16xf32>,
      tpu.vector_store %arg6[%swap3A_354, %swap3A_355], %add3A_353 {strides = array<i32>} : memref<64x16xf32, #tpu.memory_space<vmem>>, vector<16xf32>,
      %add3A_357 = arith.addf %scan3A_316, %get3A_325 : vector<16xf32>
      %add3A_358 = arith.addf %scan3A_317, %get3A_328 : vector<16xf32>
      %add3A_359 = arith.addf %scan3A_318, %get3A_331 : vector<16xf32>
      %add3A_360 = arith.addf %scan3A_319, %get3A_334 : vector<16xf32>
      %add3A_361 = arith.addf %scan3A_320, %get3A_337 : vector<16xf32>
      %add3A_362 = arith.addf %scan3A_321, %get3A_340 : vector<16xf32>
      %add3A_363 = arith.addf %scan3A_322, %get3A_343 : vector<16xf32>
      %add3A_364 = arith.addf %scan3A_323, %get3A_346 : vector<16xf32>
      scf.yield %add3A_357, %add3A_358, %add3A_359, %add3A_360, %add3A_361, %add3A_362, %add3A_363, %add3A_364 : vector<16xf32>, vector<16xf32>, vector<16xf32>, vector<16xf32>, vector<16xf32>, vector<16xf32>, vector<16xf32>, vector<16xf32>
    }
    %scan3A_26 = arith.constant 64 : i32
    %add3A_27 = arith.constant 0 : i32
    %add3A_28 = vector.broadcast %add3A_27 : i32 to vector<16xi32>
    %add3A_29 = arith.addi %add3A_28, %iota3A : vector<16xi32>
    %broadcast_in_dim3A_30 = arith.constant 0 : i32
    %broadcast_in_dim3A_31 = vector.broadcast %broadcast_in_dim3A_30 : i32 to vector<16xi32>
    %gather3A = tpu.vector_load_idx %arg6[%add3A_29, %broadcast_in_dim3A_31] : memref<64x16xf32, #tpu.memory_space<vmem>>[vector<16xi32>, vector<16xi32>], vector<16xf32>,
    %broadcast_in_dim3A_32 = arith.constant 1 : i32
    %broadcast_in_dim3A_33 = vector.broadcast %broadcast_in_dim3A_32 : i32 to vector<16xi32>
    %gather3A_34 = tpu.vector_load_idx %arg6[%add3A_29, %broadcast_in_dim3A_33] : memref<64x16xf32, #tpu.memory_space<vmem>>[vector<16xi32>, vector<16xi32>], vector<16xf32>,
    %add3A_35 = arith.addf %gather3A, %gather3A_34 : vector<16xf32>
    %broadcast_in_dim3A_36 = arith.constant 2 : i32
    %broadcast_in_dim3A_37 = vector.broadcast %broadcast_in_dim3A_36 : i32 to vector<16xi32>
    %gather3A_38 = tpu.vector_load_idx %arg6[%add3A_29, %broadcast_in_dim3A_37] : memref<64x16xf32, #tpu.memory_space<vmem>>[vector<16xi32>, vector<16xi32>], vector<16xf32>,
    %add3A_39 = arith.addf %add3A_35, %gather3A_38 : vector<16xf32>
    %broadcast_in_dim3A_40 = arith.constant 3 : i32
    %broadcast_in_dim3A_41 = vector.broadcast %broadcast_in_dim3A_40 : i32 to vector<16xi32>
    %gather3A_42 = tpu.vector_load_idx %arg6[%add3A_29, %broadcast_in_dim3A_41] : memref<64x16xf32, #tpu.memory_space<vmem>>[vector<16xi32>, vector<16xi32>], vector<16xf32>,
    %add3A_43 = arith.addf %add3A_39, %gather3A_42 : vector<16xf32>
    %broadcast_in_dim3A_44 = arith.constant 4 : i32
    %broadcast_in_dim3A_45 = vector.broadcast %broadcast_in_dim3A_44 : i32 to vector<16xi32>
    %gather3A_46 = tpu.vector_load_idx %arg6[%add3A_29, %broadcast_in_dim3A_45] : memref<64x16xf32, #tpu.memory_space<vmem>>[vector<16xi32>, vector<16xi32>], vector<16xf32>,
    %add3A_47 = arith.addf %add3A_43, %gather3A_46 : vector<16xf32>
    %broadcast_in_dim3A_48 = arith.constant 5 : i32
    %broadcast_in_dim3A_49 = vector.broadcast %broadcast_in_dim3A_48 : i32 to vector<16xi32>
    %gather3A_50 = tpu.vector_load_idx %arg6[%add3A_29, %broadcast_in_dim3A_49] : memref<64x16xf32, #tpu.memory_space<vmem>>[vector<16xi32>, vector<16xi32>], vector<16xf32>,
    %add3A_51 = arith.addf %add3A_47, %gather3A_50 : vector<16xf32>
    %broadcast_in_dim3A_52 = arith.constant 6 : i32
    %broadcast_in_dim3A_53 = vector.broadcast %broadcast_in_dim3A_52 : i32 to vector<16xi32>
    %gather3A_54 = tpu.vector_load_idx %arg6[%add3A_29, %broadcast_in_dim3A_53] : memref<64x16xf32, #tpu.memory_space<vmem>>[vector<16xi32>, vector<16xi32>], vector<16xf32>,
    %add3A_55 = arith.addf %add3A_51, %gather3A_54 : vector<16xf32>
    %broadcast_in_dim3A_56 = arith.constant 7 : i32
    %broadcast_in_dim3A_57 = vector.broadcast %broadcast_in_dim3A_56 : i32 to vector<16xi32>
    %gather3A_58 = tpu.vector_load_idx %arg6[%add3A_29, %broadcast_in_dim3A_57] : memref<64x16xf32, #tpu.memory_space<vmem>>[vector<16xi32>, vector<16xi32>], vector<16xf32>,
    %add3A_59 = arith.addf %add3A_55, %gather3A_58 : vector<16xf32>
    %broadcast_in_dim3A_60 = arith.constant 8 : i32
    %broadcast_in_dim3A_61 = vector.broadcast %broadcast_in_dim3A_60 : i32 to vector<16xi32>
    %gather3A_62 = tpu.vector_load_idx %arg6[%add3A_29, %broadcast_in_dim3A_61] : memref<64x16xf32, #tpu.memory_space<vmem>>[vector<16xi32>, vector<16xi32>], vector<16xf32>,
    %add3A_63 = arith.addf %add3A_59, %gather3A_62 : vector<16xf32>
    %broadcast_in_dim3A_64 = arith.constant 9 : i32
    %broadcast_in_dim3A_65 = vector.broadcast %broadcast_in_dim3A_64 : i32 to vector<16xi32>
    %gather3A_66 = tpu.vector_load_idx %arg6[%add3A_29, %broadcast_in_dim3A_65] : memref<64x16xf32, #tpu.memory_space<vmem>>[vector<16xi32>, vector<16xi32>], vector<16xf32>,
    %add3A_67 = arith.addf %add3A_63, %gather3A_66 : vector<16xf32>
    %broadcast_in_dim3A_68 = arith.constant 10 : i32
    %broadcast_in_dim3A_69 = vector.broadcast %broadcast_in_dim3A_68 : i32 to vector<16xi32>
    %gather3A_70 = tpu.vector_load_idx %arg6[%add3A_29, %broadcast_in_dim3A_69] : memref<64x16xf32, #tpu.memory_space<vmem>>[vector<16xi32>, vector<16xi32>], vector<16xf32>,
    %add3A_71 = arith.addf %add3A_67, %gather3A_70 : vector<16xf32>
    %broadcast_in_dim3A_72 = arith.constant 11 : i32
    %broadcast_in_dim3A_73 = vector.broadcast %broadcast_in_dim3A_72 : i32 to vector<16xi32>
    %gather3A_74 = tpu.vector_load_idx %arg6[%add3A_29, %broadcast_in_dim3A_73] : memref<64x16xf32, #tpu.memory_space<vmem>>[vector<16xi32>, vector<16xi32>], vector<16xf32>,
    %add3A_75 = arith.addf %add3A_71, %gather3A_74 : vector<16xf32>
    %broadcast_in_dim3A_76 = arith.constant 12 : i32
    %broadcast_in_dim3A_77 = vector.broadcast %broadcast_in_dim3A_76 : i32 to vector<16xi32>
    %gather3A_78 = tpu.vector_load_idx %arg6[%add3A_29, %broadcast_in_dim3A_77] : memref<64x16xf32, #tpu.memory_space<vmem>>[vector<16xi32>, vector<16xi32>], vector<16xf32>,
    %add3A_79 = arith.addf %add3A_75, %gather3A_78 : vector<16xf32>
    %broadcast_in_dim3A_80 = arith.constant 13 : i32
    %broadcast_in_dim3A_81 = vector.broadcast %broadcast_in_dim3A_80 : i32 to vector<16xi32>
    %gather3A_82 = tpu.vector_load_idx %arg6[%add3A_29, %broadcast_in_dim3A_81] : memref<64x16xf32, #tpu.memory_space<vmem>>[vector<16xi32>, vector<16xi32>], vector<16xf32>,
    %add3A_83 = arith.addf %add3A_79, %gather3A_82 : vector<16xf32>
    %broadcast_in_dim3A_84 = arith.constant 14 : i32
    %broadcast_in_dim3A_85 = vector.broadcast %broadcast_in_dim3A_84 : i32 to vector<16xi32>
    %gather3A_86 = tpu.vector_load_idx %arg6[%add3A_29, %broadcast_in_dim3A_85] : memref<64x16xf32, #tpu.memory_space<vmem>>[vector<16xi32>, vector<16xi32>], vector<16xf32>,
    %add3A_87 = arith.addf %add3A_83, %gather3A_86 : vector<16xf32>
    %broadcast_in_dim3A_88 = arith.constant 15 : i32
    %broadcast_in_dim3A_89 = vector.broadcast %broadcast_in_dim3A_88 : i32 to vector<16xi32>
    %gather3A_90 = tpu.vector_load_idx %arg6[%add3A_29, %broadcast_in_dim3A_89] : memref<64x16xf32, #tpu.memory_space<vmem>>[vector<16xi32>, vector<16xi32>], vector<16xf32>,
    %add3A_91 = arith.addf %add3A_87, %gather3A_90 : vector<16xf32>
    %max3A = arith.maximumf %broadcast_in_dim3A_21, %add3A_91 : vector<16xf32>
    %add3A_92 = arith.constant 16 : i32
    %add3A_93 = vector.broadcast %add3A_92 : i32 to vector<16xi32>
    %add3A_94 = arith.addi %add3A_93, %iota3A : vector<16xi32>
    %broadcast_in_dim3A_95 = arith.constant 0 : i32
    %broadcast_in_dim3A_96 = vector.broadcast %broadcast_in_dim3A_95 : i32 to vector<16xi32>
    %gather3A_97 = tpu.vector_load_idx %arg6[%add3A_94, %broadcast_in_dim3A_96] : memref<64x16xf32, #tpu.memory_space<vmem>>[vector<16xi32>, vector<16xi32>], vector<16xf32>,
    %broadcast_in_dim3A_98 = arith.constant 1 : i32
    %broadcast_in_dim3A_99 = vector.broadcast %broadcast_in_dim3A_98 : i32 to vector<16xi32>
    %gather3A_100 = tpu.vector_load_idx %arg6[%add3A_94, %broadcast_in_dim3A_99] : memref<64x16xf32, #tpu.memory_space<vmem>>[vector<16xi32>, vector<16xi32>], vector<16xf32>,
    %add3A_101 = arith.addf %gather3A_97, %gather3A_100 : vector<16xf32>
    %broadcast_in_dim3A_102 = arith.constant 2 : i32
    %broadcast_in_dim3A_103 = vector.broadcast %broadcast_in_dim3A_102 : i32 to vector<16xi32>
    %gather3A_104 = tpu.vector_load_idx %arg6[%add3A_94, %broadcast_in_dim3A_103] : memref<64x16xf32, #tpu.memory_space<vmem>>[vector<16xi32>, vector<16xi32>], vector<16xf32>,
    %add3A_105 = arith.addf %add3A_101, %gather3A_104 : vector<16xf32>
    %broadcast_in_dim3A_106 = arith.constant 3 : i32
    %broadcast_in_dim3A_107 = vector.broadcast %broadcast_in_dim3A_106 : i32 to vector<16xi32>
    %gather3A_108 = tpu.vector_load_idx %arg6[%add3A_94, %broadcast_in_dim3A_107] : memref<64x16xf32, #tpu.memory_space<vmem>>[vector<16xi32>, vector<16xi32>], vector<16xf32>,
    %add3A_109 = arith.addf %add3A_105, %gather3A_108 : vector<16xf32>
    %broadcast_in_dim3A_110 = arith.constant 4 : i32
    %broadcast_in_dim3A_111 = vector.broadcast %broadcast_in_dim3A_110 : i32 to vector<16xi32>
    %gather3A_112 = tpu.vector_load_idx %arg6[%add3A_94, %broadcast_in_dim3A_111] : memref<64x16xf32, #tpu.memory_space<vmem>>[vector<16xi32>, vector<16xi32>], vector<16xf32>,
    %add3A_113 = arith.addf %add3A_109, %gather3A_112 : vector<16xf32>
    %broadcast_in_dim3A_114 = arith.constant 5 : i32
    %broadcast_in_dim3A_115 = vector.broadcast %broadcast_in_dim3A_114 : i32 to vector<16xi32>
    %gather3A_116 = tpu.vector_load_idx %arg6[%add3A_94, %broadcast_in_dim3A_115] : memref<64x16xf32, #tpu.memory_space<vmem>>[vector<16xi32>, vector<16xi32>], vector<16xf32>,
    %add3A_117 = arith.addf %add3A_113, %gather3A_116 : vector<16xf32>
    %broadcast_in_dim3A_118 = arith.constant 6 : i32
    %broadcast_in_dim3A_119 = vector.broadcast %broadcast_in_dim3A_118 : i32 to vector<16xi32>
    %gather3A_120 = tpu.vector_load_idx %arg6[%add3A_94, %broadcast_in_dim3A_119] : memref<64x16xf32, #tpu.memory_space<vmem>>[vector<16xi32>, vector<16xi32>], vector<16xf32>,
    %add3A_121 = arith.addf %add3A_117, %gather3A_120 : vector<16xf32>
    %broadcast_in_dim3A_122 = arith.constant 7 : i32
    %broadcast_in_dim3A_123 = vector.broadcast %broadcast_in_dim3A_122 : i32 to vector<16xi32>
    %gather3A_124 = tpu.vector_load_idx %arg6[%add3A_94, %broadcast_in_dim3A_123] : memref<64x16xf32, #tpu.memory_space<vmem>>[vector<16xi32>, vector<16xi32>], vector<16xf32>,
    %add3A_125 = arith.addf %add3A_121, %gather3A_124 : vector<16xf32>
    %broadcast_in_dim3A_126 = arith.constant 8 : i32
    %broadcast_in_dim3A_127 = vector.broadcast %broadcast_in_dim3A_126 : i32 to vector<16xi32>
    %gather3A_128 = tpu.vector_load_idx %arg6[%add3A_94, %broadcast_in_dim3A_127] : memref<64x16xf32, #tpu.memory_space<vmem>>[vector<16xi32>, vector<16xi32>], vector<16xf32>,
    %add3A_129 = arith.addf %add3A_125, %gather3A_128 : vector<16xf32>
    %broadcast_in_dim3A_130 = arith.constant 9 : i32
    %broadcast_in_dim3A_131 = vector.broadcast %broadcast_in_dim3A_130 : i32 to vector<16xi32>
    %gather3A_132 = tpu.vector_load_idx %arg6[%add3A_94, %broadcast_in_dim3A_131] : memref<64x16xf32, #tpu.memory_space<vmem>>[vector<16xi32>, vector<16xi32>], vector<16xf32>,
    %add3A_133 = arith.addf %add3A_129, %gather3A_132 : vector<16xf32>
    %broadcast_in_dim3A_134 = arith.constant 10 : i32
    %broadcast_in_dim3A_135 = vector.broadcast %broadcast_in_dim3A_134 : i32 to vector<16xi32>
    %gather3A_136 = tpu.vector_load_idx %arg6[%add3A_94, %broadcast_in_dim3A_135] : memref<64x16xf32, #tpu.memory_space<vmem>>[vector<16xi32>, vector<16xi32>], vector<16xf32>,
    %add3A_137 = arith.addf %add3A_133, %gather3A_136 : vector<16xf32>
    %broadcast_in_dim3A_138 = arith.constant 11 : i32
    %broadcast_in_dim3A_139 = vector.broadcast %broadcast_in_dim3A_138 : i32 to vector<16xi32>
    %gather3A_140 = tpu.vector_load_idx %arg6[%add3A_94, %broadcast_in_dim3A_139] : memref<64x16xf32, #tpu.memory_space<vmem>>[vector<16xi32>, vector<16xi32>], vector<16xf32>,
    %add3A_141 = arith.addf %add3A_137, %gather3A_140 : vector<16xf32>
    %broadcast_in_dim3A_142 = arith.constant 12 : i32
    %broadcast_in_dim3A_143 = vector.broadcast %broadcast_in_dim3A_142 : i32 to vector<16xi32>
    %gather3A_144 = tpu.vector_load_idx %arg6[%add3A_94, %broadcast_in_dim3A_143] : memref<64x16xf32, #tpu.memory_space<vmem>>[vector<16xi32>, vector<16xi32>], vector<16xf32>,
    %add3A_145 = arith.addf %add3A_141, %gather3A_144 : vector<16xf32>
    %broadcast_in_dim3A_146 = arith.constant 13 : i32
    %broadcast_in_dim3A_147 = vector.broadcast %broadcast_in_dim3A_146 : i32 to vector<16xi32>
    %gather3A_148 = tpu.vector_load_idx %arg6[%add3A_94, %broadcast_in_dim3A_147] : memref<64x16xf32, #tpu.memory_space<vmem>>[vector<16xi32>, vector<16xi32>], vector<16xf32>,
    %add3A_149 = arith.addf %add3A_145, %gather3A_148 : vector<16xf32>
    %broadcast_in_dim3A_150 = arith.constant 14 : i32
    %broadcast_in_dim3A_151 = vector.broadcast %broadcast_in_dim3A_150 : i32 to vector<16xi32>
    %gather3A_152 = tpu.vector_load_idx %arg6[%add3A_94, %broadcast_in_dim3A_151] : memref<64x16xf32, #tpu.memory_space<vmem>>[vector<16xi32>, vector<16xi32>], vector<16xf32>,
    %add3A_153 = arith.addf %add3A_149, %gather3A_152 : vector<16xf32>
    %broadcast_in_dim3A_154 = arith.constant 15 : i32
    %broadcast_in_dim3A_155 = vector.broadcast %broadcast_in_dim3A_154 : i32 to vector<16xi32>
    %gather3A_156 = tpu.vector_load_idx %arg6[%add3A_94, %broadcast_in_dim3A_155] : memref<64x16xf32, #tpu.memory_space<vmem>>[vector<16xi32>, vector<16xi32>], vector<16xf32>,
    %add3A_157 = arith.addf %add3A_153, %gather3A_156 : vector<16xf32>
    %max3A_158 = arith.maximumf %max3A, %add3A_157 : vector<16xf32>
    %add3A_159 = arith.constant 32 : i32
    %add3A_160 = vector.broadcast %add3A_159 : i32 to vector<16xi32>
    %add3A_161 = arith.addi %add3A_160, %iota3A : vector<16xi32>
    %broadcast_in_dim3A_162 = arith.constant 0 : i32
    %broadcast_in_dim3A_163 = vector.broadcast %broadcast_in_dim3A_162 : i32 to vector<16xi32>
    %gather3A_164 = tpu.vector_load_idx %arg6[%add3A_161, %broadcast_in_dim3A_163] : memref<64x16xf32, #tpu.memory_space<vmem>>[vector<16xi32>, vector<16xi32>], vector<16xf32>,
    %broadcast_in_dim3A_165 = arith.constant 1 : i32
    %broadcast_in_dim3A_166 = vector.broadcast %broadcast_in_dim3A_165 : i32 to vector<16xi32>
    %gather3A_167 = tpu.vector_load_idx %arg6[%add3A_161, %broadcast_in_dim3A_166] : memref<64x16xf32, #tpu.memory_space<vmem>>[vector<16xi32>, vector<16xi32>], vector<16xf32>,
    %add3A_168 = arith.addf %gather3A_164, %gather3A_167 : vector<16xf32>
    %broadcast_in_dim3A_169 = arith.constant 2 : i32
    %broadcast_in_dim3A_170 = vector.broadcast %broadcast_in_dim3A_169 : i32 to vector<16xi32>
    %gather3A_171 = tpu.vector_load_idx %arg6[%add3A_161, %broadcast_in_dim3A_170] : memref<64x16xf32, #tpu.memory_space<vmem>>[vector<16xi32>, vector<16xi32>], vector<16xf32>,
    %add3A_172 = arith.addf %add3A_168, %gather3A_171 : vector<16xf32>
    %broadcast_in_dim3A_173 = arith.constant 3 : i32
    %broadcast_in_dim3A_174 = vector.broadcast %broadcast_in_dim3A_173 : i32 to vector<16xi32>
    %gather3A_175 = tpu.vector_load_idx %arg6[%add3A_161, %broadcast_in_dim3A_174] : memref<64x16xf32, #tpu.memory_space<vmem>>[vector<16xi32>, vector<16xi32>], vector<16xf32>,
    %add3A_176 = arith.addf %add3A_172, %gather3A_175 : vector<16xf32>
    %broadcast_in_dim3A_177 = arith.constant 4 : i32
    %broadcast_in_dim3A_178 = vector.broadcast %broadcast_in_dim3A_177 : i32 to vector<16xi32>
    %gather3A_179 = tpu.vector_load_idx %arg6[%add3A_161, %broadcast_in_dim3A_178] : memref<64x16xf32, #tpu.memory_space<vmem>>[vector<16xi32>, vector<16xi32>], vector<16xf32>,
    %add3A_180 = arith.addf %add3A_176, %gather3A_179 : vector<16xf32>
    %broadcast_in_dim3A_181 = arith.constant 5 : i32
    %broadcast_in_dim3A_182 = vector.broadcast %broadcast_in_dim3A_181 : i32 to vector<16xi32>
    %gather3A_183 = tpu.vector_load_idx %arg6[%add3A_161, %broadcast_in_dim3A_182] : memref<64x16xf32, #tpu.memory_space<vmem>>[vector<16xi32>, vector<16xi32>], vector<16xf32>,
    %add3A_184 = arith.addf %add3A_180, %gather3A_183 : vector<16xf32>
    %broadcast_in_dim3A_185 = arith.constant 6 : i32
    %broadcast_in_dim3A_186 = vector.broadcast %broadcast_in_dim3A_185 : i32 to vector<16xi32>
    %gather3A_187 = tpu.vector_load_idx %arg6[%add3A_161, %broadcast_in_dim3A_186] : memref<64x16xf32, #tpu.memory_space<vmem>>[vector<16xi32>, vector<16xi32>], vector<16xf32>,
    %add3A_188 = arith.addf %add3A_184, %gather3A_187 : vector<16xf32>
    %broadcast_in_dim3A_189 = arith.constant 7 : i32
    %broadcast_in_dim3A_190 = vector.broadcast %broadcast_in_dim3A_189 : i32 to vector<16xi32>
    %gather3A_191 = tpu.vector_load_idx %arg6[%add3A_161, %broadcast_in_dim3A_190] : memref<64x16xf32, #tpu.memory_space<vmem>>[vector<16xi32>, vector<16xi32>], vector<16xf32>,
    %add3A_192 = arith.addf %add3A_188, %gather3A_191 : vector<16xf32>
    %broadcast_in_dim3A_193 = arith.constant 8 : i32
    %broadcast_in_dim3A_194 = vector.broadcast %broadcast_in_dim3A_193 : i32 to vector<16xi32>
    %gather3A_195 = tpu.vector_load_idx %arg6[%add3A_161, %broadcast_in_dim3A_194] : memref<64x16xf32, #tpu.memory_space<vmem>>[vector<16xi32>, vector<16xi32>], vector<16xf32>,
    %add3A_196 = arith.addf %add3A_192, %gather3A_195 : vector<16xf32>
    %broadcast_in_dim3A_197 = arith.constant 9 : i32
    %broadcast_in_dim3A_198 = vector.broadcast %broadcast_in_dim3A_197 : i32 to vector<16xi32>
    %gather3A_199 = tpu.vector_load_idx %arg6[%add3A_161, %broadcast_in_dim3A_198] : memref<64x16xf32, #tpu.memory_space<vmem>>[vector<16xi32>, vector<16xi32>], vector<16xf32>,
    %add3A_200 = arith.addf %add3A_196, %gather3A_199 : vector<16xf32>
    %broadcast_in_dim3A_201 = arith.constant 10 : i32
    %broadcast_in_dim3A_202 = vector.broadcast %broadcast_in_dim3A_201 : i32 to vector<16xi32>
    %gather3A_203 = tpu.vector_load_idx %arg6[%add3A_161, %broadcast_in_dim3A_202] : memref<64x16xf32, #tpu.memory_space<vmem>>[vector<16xi32>, vector<16xi32>], vector<16xf32>,
    %add3A_204 = arith.addf %add3A_200, %gather3A_203 : vector<16xf32>
    %broadcast_in_dim3A_205 = arith.constant 11 : i32
    %broadcast_in_dim3A_206 = vector.broadcast %broadcast_in_dim3A_205 : i32 to vector<16xi32>
    %gather3A_207 = tpu.vector_load_idx %arg6[%add3A_161, %broadcast_in_dim3A_206] : memref<64x16xf32, #tpu.memory_space<vmem>>[vector<16xi32>, vector<16xi32>], vector<16xf32>,
    %add3A_208 = arith.addf %add3A_204, %gather3A_207 : vector<16xf32>
    %broadcast_in_dim3A_209 = arith.constant 12 : i32
    %broadcast_in_dim3A_210 = vector.broadcast %broadcast_in_dim3A_209 : i32 to vector<16xi32>
    %gather3A_211 = tpu.vector_load_idx %arg6[%add3A_161, %broadcast_in_dim3A_210] : memref<64x16xf32, #tpu.memory_space<vmem>>[vector<16xi32>, vector<16xi32>], vector<16xf32>,
    %add3A_212 = arith.addf %add3A_208, %gather3A_211 : vector<16xf32>
    %broadcast_in_dim3A_213 = arith.constant 13 : i32
    %broadcast_in_dim3A_214 = vector.broadcast %broadcast_in_dim3A_213 : i32 to vector<16xi32>
    %gather3A_215 = tpu.vector_load_idx %arg6[%add3A_161, %broadcast_in_dim3A_214] : memref<64x16xf32, #tpu.memory_space<vmem>>[vector<16xi32>, vector<16xi32>], vector<16xf32>,
    %add3A_216 = arith.addf %add3A_212, %gather3A_215 : vector<16xf32>
    %broadcast_in_dim3A_217 = arith.constant 14 : i32
    %broadcast_in_dim3A_218 = vector.broadcast %broadcast_in_dim3A_217 : i32 to vector<16xi32>
    %gather3A_219 = tpu.vector_load_idx %arg6[%add3A_161, %broadcast_in_dim3A_218] : memref<64x16xf32, #tpu.memory_space<vmem>>[vector<16xi32>, vector<16xi32>], vector<16xf32>,
    %add3A_220 = arith.addf %add3A_216, %gather3A_219 : vector<16xf32>
    %broadcast_in_dim3A_221 = arith.constant 15 : i32
    %broadcast_in_dim3A_222 = vector.broadcast %broadcast_in_dim3A_221 : i32 to vector<16xi32>
    %gather3A_223 = tpu.vector_load_idx %arg6[%add3A_161, %broadcast_in_dim3A_222] : memref<64x16xf32, #tpu.memory_space<vmem>>[vector<16xi32>, vector<16xi32>], vector<16xf32>,
    %add3A_224 = arith.addf %add3A_220, %gather3A_223 : vector<16xf32>
    %max3A_225 = arith.maximumf %max3A_158, %add3A_224 : vector<16xf32>
    %add3A_226 = arith.constant 48 : i32
    %add3A_227 = vector.broadcast %add3A_226 : i32 to vector<16xi32>
    %add3A_228 = arith.addi %add3A_227, %iota3A : vector<16xi32>
    %broadcast_in_dim3A_229 = arith.constant 0 : i32
    %broadcast_in_dim3A_230 = vector.broadcast %broadcast_in_dim3A_229 : i32 to vector<16xi32>
    %gather3A_231 = tpu.vector_load_idx %arg6[%add3A_228, %broadcast_in_dim3A_230] : memref<64x16xf32, #tpu.memory_space<vmem>>[vector<16xi32>, vector<16xi32>], vector<16xf32>,
    %broadcast_in_dim3A_232 = arith.constant 1 : i32
    %broadcast_in_dim3A_233 = vector.broadcast %broadcast_in_dim3A_232 : i32 to vector<16xi32>
    %gather3A_234 = tpu.vector_load_idx %arg6[%add3A_228, %broadcast_in_dim3A_233] : memref<64x16xf32, #tpu.memory_space<vmem>>[vector<16xi32>, vector<16xi32>], vector<16xf32>,
    %add3A_235 = arith.addf %gather3A_231, %gather3A_234 : vector<16xf32>
    %broadcast_in_dim3A_236 = arith.constant 2 : i32
    %broadcast_in_dim3A_237 = vector.broadcast %broadcast_in_dim3A_236 : i32 to vector<16xi32>
    %gather3A_238 = tpu.vector_load_idx %arg6[%add3A_228, %broadcast_in_dim3A_237] : memref<64x16xf32, #tpu.memory_space<vmem>>[vector<16xi32>, vector<16xi32>], vector<16xf32>,
    %add3A_239 = arith.addf %add3A_235, %gather3A_238 : vector<16xf32>
    %broadcast_in_dim3A_240 = arith.constant 3 : i32
    %broadcast_in_dim3A_241 = vector.broadcast %broadcast_in_dim3A_240 : i32 to vector<16xi32>
    %gather3A_242 = tpu.vector_load_idx %arg6[%add3A_228, %broadcast_in_dim3A_241] : memref<64x16xf32, #tpu.memory_space<vmem>>[vector<16xi32>, vector<16xi32>], vector<16xf32>,
    %add3A_243 = arith.addf %add3A_239, %gather3A_242 : vector<16xf32>
    %broadcast_in_dim3A_244 = arith.constant 4 : i32
    %broadcast_in_dim3A_245 = vector.broadcast %broadcast_in_dim3A_244 : i32 to vector<16xi32>
    %gather3A_246 = tpu.vector_load_idx %arg6[%add3A_228, %broadcast_in_dim3A_245] : memref<64x16xf32, #tpu.memory_space<vmem>>[vector<16xi32>, vector<16xi32>], vector<16xf32>,
    %add3A_247 = arith.addf %add3A_243, %gather3A_246 : vector<16xf32>
    %broadcast_in_dim3A_248 = arith.constant 5 : i32
    %broadcast_in_dim3A_249 = vector.broadcast %broadcast_in_dim3A_248 : i32 to vector<16xi32>
    %gather3A_250 = tpu.vector_load_idx %arg6[%add3A_228, %broadcast_in_dim3A_249] : memref<64x16xf32, #tpu.memory_space<vmem>>[vector<16xi32>, vector<16xi32>], vector<16xf32>,
    %add3A_251 = arith.addf %add3A_247, %gather3A_250 : vector<16xf32>
    %broadcast_in_dim3A_252 = arith.constant 6 : i32
    %broadcast_in_dim3A_253 = vector.broadcast %broadcast_in_dim3A_252 : i32 to vector<16xi32>
    %gather3A_254 = tpu.vector_load_idx %arg6[%add3A_228, %broadcast_in_dim3A_253] : memref<64x16xf32, #tpu.memory_space<vmem>>[vector<16xi32>, vector<16xi32>], vector<16xf32>,
    %add3A_255 = arith.addf %add3A_251, %gather3A_254 : vector<16xf32>
    %broadcast_in_dim3A_256 = arith.constant 7 : i32
    %broadcast_in_dim3A_257 = vector.broadcast %broadcast_in_dim3A_256 : i32 to vector<16xi32>
    %gather3A_258 = tpu.vector_load_idx %arg6[%add3A_228, %broadcast_in_dim3A_257] : memref<64x16xf32, #tpu.memory_space<vmem>>[vector<16xi32>, vector<16xi32>], vector<16xf32>,
    %add3A_259 = arith.addf %add3A_255, %gather3A_258 : vector<16xf32>
    %broadcast_in_dim3A_260 = arith.constant 8 : i32
    %broadcast_in_dim3A_261 = vector.broadcast %broadcast_in_dim3A_260 : i32 to vector<16xi32>
    %gather3A_262 = tpu.vector_load_idx %arg6[%add3A_228, %broadcast_in_dim3A_261] : memref<64x16xf32, #tpu.memory_space<vmem>>[vector<16xi32>, vector<16xi32>], vector<16xf32>,
    %add3A_263 = arith.addf %add3A_259, %gather3A_262 : vector<16xf32>
    %broadcast_in_dim3A_264 = arith.constant 9 : i32
    %broadcast_in_dim3A_265 = vector.broadcast %broadcast_in_dim3A_264 : i32 to vector<16xi32>
    %gather3A_266 = tpu.vector_load_idx %arg6[%add3A_228, %broadcast_in_dim3A_265] : memref<64x16xf32, #tpu.memory_space<vmem>>[vector<16xi32>, vector<16xi32>], vector<16xf32>,
    %add3A_267 = arith.addf %add3A_263, %gather3A_266 : vector<16xf32>
    %broadcast_in_dim3A_268 = arith.constant 10 : i32
    %broadcast_in_dim3A_269 = vector.broadcast %broadcast_in_dim3A_268 : i32 to vector<16xi32>
    %gather3A_270 = tpu.vector_load_idx %arg6[%add3A_228, %broadcast_in_dim3A_269] : memref<64x16xf32, #tpu.memory_space<vmem>>[vector<16xi32>, vector<16xi32>], vector<16xf32>,
    %add3A_271 = arith.addf %add3A_267, %gather3A_270 : vector<16xf32>
    %broadcast_in_dim3A_272 = arith.constant 11 : i32
    %broadcast_in_dim3A_273 = vector.broadcast %broadcast_in_dim3A_272 : i32 to vector<16xi32>
    %gather3A_274 = tpu.vector_load_idx %arg6[%add3A_228, %broadcast_in_dim3A_273] : memref<64x16xf32, #tpu.memory_space<vmem>>[vector<16xi32>, vector<16xi32>], vector<16xf32>,
    %add3A_275 = arith.addf %add3A_271, %gather3A_274 : vector<16xf32>
    %broadcast_in_dim3A_276 = arith.constant 12 : i32
    %broadcast_in_dim3A_277 = vector.broadcast %broadcast_in_dim3A_276 : i32 to vector<16xi32>
    %gather3A_278 = tpu.vector_load_idx %arg6[%add3A_228, %broadcast_in_dim3A_277] : memref<64x16xf32, #tpu.memory_space<vmem>>[vector<16xi32>, vector<16xi32>], vector<16xf32>,
    %add3A_279 = arith.addf %add3A_275, %gather3A_278 : vector<16xf32>
    %broadcast_in_dim3A_280 = arith.constant 13 : i32
    %broadcast_in_dim3A_281 = vector.broadcast %broadcast_in_dim3A_280 : i32 to vector<16xi32>
    %gather3A_282 = tpu.vector_load_idx %arg6[%add3A_228, %broadcast_in_dim3A_281] : memref<64x16xf32, #tpu.memory_space<vmem>>[vector<16xi32>, vector<16xi32>], vector<16xf32>,
    %add3A_283 = arith.addf %add3A_279, %gather3A_282 : vector<16xf32>
    %broadcast_in_dim3A_284 = arith.constant 14 : i32
    %broadcast_in_dim3A_285 = vector.broadcast %broadcast_in_dim3A_284 : i32 to vector<16xi32>
    %gather3A_286 = tpu.vector_load_idx %arg6[%add3A_228, %broadcast_in_dim3A_285] : memref<64x16xf32, #tpu.memory_space<vmem>>[vector<16xi32>, vector<16xi32>], vector<16xf32>,
    %add3A_287 = arith.addf %add3A_283, %gather3A_286 : vector<16xf32>
    %broadcast_in_dim3A_288 = arith.constant 15 : i32
    %broadcast_in_dim3A_289 = vector.broadcast %broadcast_in_dim3A_288 : i32 to vector<16xi32>
    %gather3A_290 = tpu.vector_load_idx %arg6[%add3A_228, %broadcast_in_dim3A_289] : memref<64x16xf32, #tpu.memory_space<vmem>>[vector<16xi32>, vector<16xi32>], vector<16xf32>,
    %add3A_291 = arith.addf %add3A_287, %gather3A_290 : vector<16xf32>
    %max3A_292 = arith.maximumf %max3A_225, %add3A_291 : vector<16xf32>
    %swap3A = arith.constant 0 : index
    %swap3A_293 = tpu.vector_load %arg7[%swap3A] {strides = array<i32>} : memref<144xf32, #tpu.memory_space<vmem>>, vector<16xf32>,
    tpu.vector_store %arg7[%swap3A], %scan3A_25#0 {strides = array<i32>} : memref<144xf32, #tpu.memory_space<vmem>>, vector<16xf32>,
    %swap3A_294 = arith.constant 16 : index
    %swap3A_295 = tpu.vector_load %arg7[%swap3A_294] {strides = array<i32>} : memref<144xf32, #tpu.memory_space<vmem>>, vector<16xf32>,
    tpu.vector_store %arg7[%swap3A_294], %scan3A_25#1 {strides = array<i32>} : memref<144xf32, #tpu.memory_space<vmem>>, vector<16xf32>,
    %swap3A_296 = arith.constant 32 : index
    %swap3A_297 = tpu.vector_load %arg7[%swap3A_296] {strides = array<i32>} : memref<144xf32, #tpu.memory_space<vmem>>, vector<16xf32>,
    tpu.vector_store %arg7[%swap3A_296], %scan3A_25#2 {strides = array<i32>} : memref<144xf32, #tpu.memory_space<vmem>>, vector<16xf32>,
    %swap3A_298 = arith.constant 48 : index
    %swap3A_299 = tpu.vector_load %arg7[%swap3A_298] {strides = array<i32>} : memref<144xf32, #tpu.memory_space<vmem>>, vector<16xf32>,
    tpu.vector_store %arg7[%swap3A_298], %scan3A_25#3 {strides = array<i32>} : memref<144xf32, #tpu.memory_space<vmem>>, vector<16xf32>,
    %swap3A_300 = arith.constant 64 : index
    %swap3A_301 = tpu.vector_load %arg7[%swap3A_300] {strides = array<i32>} : memref<144xf32, #tpu.memory_space<vmem>>, vector<16xf32>,
    tpu.vector_store %arg7[%swap3A_300], %scan3A_25#4 {strides = array<i32>} : memref<144xf32, #tpu.memory_space<vmem>>, vector<16xf32>,
    %swap3A_302 = arith.constant 80 : index
    %swap3A_303 = tpu.vector_load %arg7[%swap3A_302] {strides = array<i32>} : memref<144xf32, #tpu.memory_space<vmem>>, vector<16xf32>,
    tpu.vector_store %arg7[%swap3A_302], %scan3A_25#5 {strides = array<i32>} : memref<144xf32, #tpu.memory_space<vmem>>, vector<16xf32>,
    %swap3A_304 = arith.constant 96 : index
    %swap3A_305 = tpu.vector_load %arg7[%swap3A_304] {strides = array<i32>} : memref<144xf32, #tpu.memory_space<vmem>>, vector<16xf32>,
    tpu.vector_store %arg7[%swap3A_304], %scan3A_25#6 {strides = array<i32>} : memref<144xf32, #tpu.memory_space<vmem>>, vector<16xf32>,
    %swap3A_306 = arith.constant 112 : index
    %swap3A_307 = tpu.vector_load %arg7[%swap3A_306] {strides = array<i32>} : memref<144xf32, #tpu.memory_space<vmem>>, vector<16xf32>,
    tpu.vector_store %arg7[%swap3A_306], %scan3A_25#7 {strides = array<i32>} : memref<144xf32, #tpu.memory_space<vmem>>, vector<16xf32>,
    %swap3A_308 = arith.constant 128 : index
    %swap3A_309 = tpu.vector_load %arg7[%swap3A_308] {strides = array<i32>} : memref<144xf32, #tpu.memory_space<vmem>>, vector<16xf32>,
    tpu.vector_store %arg7[%swap3A_308], %max3A_292 {strides = array<i32>} : memref<144xf32, #tpu.memory_space<vmem>>, vector<16xf32>,
    %mul3A_310 = arith.constant 16 : i32
    %mul3A_311 = arith.muli %arg0, %mul3A_310 : i32
    %add3A_312 = arith.addi %mul3A_311, %arg1 : i32
    "tpu.region"() ({
      %run_scoped3A = tpu.sem_alloc : memref<!tpu.dma_semaphore, #tpu.memory_space<semaphore_mem>>
      %dma_start3A = arith.constant 0 : i32
      %dma_start3A_315 = tpu.memref_slice %arg11[%add3A_312, %dma_start3A] : memref<32x144xf32, #tpu.memory_space<vmem_shared>> -> memref<1x144xf32, #tpu.memory_space<vmem_shared>>
      %dma_start3A_316 = tpu.memref_squeeze %dma_start3A_315 : memref<1x144xf32, #tpu.memory_space<vmem_shared>> -> memref<144xf32, #tpu.memory_space<vmem_shared>>
      %dma_start3A_317 = arith.constant 0 : i32
      %dma_start3A_318 = tpu.memref_slice %arg11[%add3A_312, %dma_start3A_317] : memref<32x144xf32, #tpu.memory_space<vmem_shared>> -> memref<1x144xf32, #tpu.memory_space<vmem_shared>>
      %dma_start3A_319 = tpu.memref_squeeze %dma_start3A_318 : memref<1x144xf32, #tpu.memory_space<vmem_shared>> -> memref<144xf32, #tpu.memory_space<vmem_shared>>
      tpu.enqueue_dma source(%arg7 : memref<144xf32, #tpu.memory_space<vmem>>) target(%dma_start3A_319 : memref<144xf32, #tpu.memory_space<vmem_shared>>) target_semaphore(%run_scoped3A : memref<!tpu.dma_semaphore, #tpu.memory_space<semaphore_mem>>)
      %dma_wait3A = arith.constant 0 : i32
      %dma_wait3A_320 = tpu.memref_slice %arg11[%add3A_312, %dma_wait3A] : memref<32x144xf32, #tpu.memory_space<vmem_shared>> -> memref<1x144xf32, #tpu.memory_space<vmem_shared>>
      %dma_wait3A_321 = tpu.memref_squeeze %dma_wait3A_320 : memref<1x144xf32, #tpu.memory_space<vmem_shared>> -> memref<144xf32, #tpu.memory_space<vmem_shared>>
      %dma_wait3A_322 = arith.constant 0 : i32
      %dma_wait3A_323 = tpu.memref_slice %arg11[%add3A_312, %dma_wait3A_322] : memref<32x144xf32, #tpu.memory_space<vmem_shared>> -> memref<1x144xf32, #tpu.memory_space<vmem_shared>>
      %dma_wait3A_324 = tpu.memref_squeeze %dma_wait3A_323 : memref<1x144xf32, #tpu.memory_space<vmem_shared>> -> memref<144xf32, #tpu.memory_space<vmem_shared>>
      tpu.wait_dma2 semaphore(%run_scoped3A : memref<!tpu.dma_semaphore, #tpu.memory_space<semaphore_mem>>) src(%arg7 : memref<144xf32, #tpu.memory_space<vmem>>) dst(%dma_wait3A_324 : memref<144xf32, #tpu.memory_space<vmem_shared>>)
      tpu.yield
    }) : () -> ()
    %barrier3A = arith.constant 0 : index
    tpu.barrier barrier_id(%barrier3A)
    %lt3A = arith.constant 8 : i32
    %lt3A_313 = arith.cmpi slt, %arg1, %lt3A : i32
    %convert_element_type3A = arith.extui %lt3A_313 : i1 to i32
    %cond3A = arith.constant 0 : i32
    %cond3A_314 = arith.cmpi ne, %convert_element_type3A, %cond3A : i32
    scf.if %cond3A_314 {
      %mul3A_315 = arith.constant 16 : i32
      %mul3A_316 = arith.muli %arg0, %mul3A_315 : i32
      %add3A_317 = arith.addi %mul3A_316, %arg1 : i32
      %add3A_318 = arith.constant 8 : i32
      %add3A_319 = arith.addi %add3A_317, %add3A_318 : i32
      "tpu.region"() ({
        %run_scoped3A_434 = tpu.sem_alloc : memref<!tpu.dma_semaphore, #tpu.memory_space<semaphore_mem>>
        %dma_start3A_435 = arith.constant 0 : i32
        %dma_start3A_436 = tpu.memref_slice %arg11[%add3A_319, %dma_start3A_435] : memref<32x144xf32, #tpu.memory_space<vmem_shared>> -> memref<1x144xf32, #tpu.memory_space<vmem_shared>>
        %dma_start3A_437 = tpu.memref_squeeze %dma_start3A_436 : memref<1x144xf32, #tpu.memory_space<vmem_shared>> -> memref<144xf32, #tpu.memory_space<vmem_shared>>
        %dma_start3A_438 = arith.constant 0 : i32
        %dma_start3A_439 = tpu.memref_slice %arg11[%add3A_319, %dma_start3A_438] : memref<32x144xf32, #tpu.memory_space<vmem_shared>> -> memref<1x144xf32, #tpu.memory_space<vmem_shared>>
        %dma_start3A_440 = tpu.memref_squeeze %dma_start3A_439 : memref<1x144xf32, #tpu.memory_space<vmem_shared>> -> memref<144xf32, #tpu.memory_space<vmem_shared>>
        tpu.enqueue_dma source(%dma_start3A_440 : memref<144xf32, #tpu.memory_space<vmem_shared>>) target(%arg7 : memref<144xf32, #tpu.memory_space<vmem>>) target_semaphore(%run_scoped3A_434 : memref<!tpu.dma_semaphore, #tpu.memory_space<semaphore_mem>>)
        %dma_wait3A_441 = arith.constant 0 : i32
        %dma_wait3A_442 = tpu.memref_slice %arg11[%add3A_319, %dma_wait3A_441] : memref<32x144xf32, #tpu.memory_space<vmem_shared>> -> memref<1x144xf32, #tpu.memory_space<vmem_shared>>
        %dma_wait3A_443 = tpu.memref_squeeze %dma_wait3A_442 : memref<1x144xf32, #tpu.memory_space<vmem_shared>> -> memref<144xf32, #tpu.memory_space<vmem_shared>>
        %dma_wait3A_444 = arith.constant 0 : i32
        %dma_wait3A_445 = tpu.memref_slice %arg11[%add3A_319, %dma_wait3A_444] : memref<32x144xf32, #tpu.memory_space<vmem_shared>> -> memref<1x144xf32, #tpu.memory_space<vmem_shared>>
        %dma_wait3A_446 = tpu.memref_squeeze %dma_wait3A_445 : memref<1x144xf32, #tpu.memory_space<vmem_shared>> -> memref<144xf32, #tpu.memory_space<vmem_shared>>
        tpu.wait_dma2 semaphore(%run_scoped3A_434 : memref<!tpu.dma_semaphore, #tpu.memory_space<semaphore_mem>>) src(%dma_wait3A_446 : memref<144xf32, #tpu.memory_space<vmem_shared>>) dst(%arg7 : memref<144xf32, #tpu.memory_space<vmem>>)
        tpu.yield
      }) : () -> ()
      %get3A = arith.constant 0 : index
      %get3A_320 = tpu.vector_load %arg7[%get3A] {strides = array<i32>} : memref<144xf32, #tpu.memory_space<vmem>>, vector<16xf32>,
      %add3A_321 = arith.addf %scan3A_25#0, %get3A_320 : vector<16xf32>
      %get3A_322 = arith.constant 16 : index
      %get3A_323 = tpu.vector_load %arg7[%get3A_322] {strides = array<i32>} : memref<144xf32, #tpu.memory_space<vmem>>, vector<16xf32>,
      %add3A_324 = arith.addf %scan3A_25#1, %get3A_323 : vector<16xf32>
      %max3A_325 = arith.maximumf %add3A_321, %add3A_324 : vector<16xf32>
      %get3A_326 = arith.constant 32 : index
      %get3A_327 = tpu.vector_load %arg7[%get3A_326] {strides = array<i32>} : memref<144xf32, #tpu.memory_space<vmem>>, vector<16xf32>,
      %add3A_328 = arith.addf %scan3A_25#2, %get3A_327 : vector<16xf32>
      %max3A_329 = arith.maximumf %max3A_325, %add3A_328 : vector<16xf32>
      %get3A_330 = arith.constant 48 : index
      %get3A_331 = tpu.vector_load %arg7[%get3A_330] {strides = array<i32>} : memref<144xf32, #tpu.memory_space<vmem>>, vector<16xf32>,
      %add3A_332 = arith.addf %scan3A_25#3, %get3A_331 : vector<16xf32>
      %max3A_333 = arith.maximumf %max3A_329, %add3A_332 : vector<16xf32>
      %get3A_334 = arith.constant 64 : index
      %get3A_335 = tpu.vector_load %arg7[%get3A_334] {strides = array<i32>} : memref<144xf32, #tpu.memory_space<vmem>>, vector<16xf32>,
      %add3A_336 = arith.addf %scan3A_25#4, %get3A_335 : vector<16xf32>
      %max3A_337 = arith.maximumf %max3A_333, %add3A_336 : vector<16xf32>
      %get3A_338 = arith.constant 80 : index
      %get3A_339 = tpu.vector_load %arg7[%get3A_338] {strides = array<i32>} : memref<144xf32, #tpu.memory_space<vmem>>, vector<16xf32>,
      %add3A_340 = arith.addf %scan3A_25#5, %get3A_339 : vector<16xf32>
      %max3A_341 = arith.maximumf %max3A_337, %add3A_340 : vector<16xf32>
      %get3A_342 = arith.constant 96 : index
      %get3A_343 = tpu.vector_load %arg7[%get3A_342] {strides = array<i32>} : memref<144xf32, #tpu.memory_space<vmem>>, vector<16xf32>,
      %add3A_344 = arith.addf %scan3A_25#6, %get3A_343 : vector<16xf32>
      %max3A_345 = arith.maximumf %max3A_341, %add3A_344 : vector<16xf32>
      %get3A_346 = arith.constant 112 : index
      %get3A_347 = tpu.vector_load %arg7[%get3A_346] {strides = array<i32>} : memref<144xf32, #tpu.memory_space<vmem>>, vector<16xf32>,
      %add3A_348 = arith.addf %scan3A_25#7, %get3A_347 : vector<16xf32>
      %max3A_349 = arith.maximumf %max3A_345, %add3A_348 : vector<16xf32>
      %iota3A_350 = tpu.iota {dimensions = array<i32: 0>} : vector<16xi32>
      %swap3A_351 = arith.constant 0 : index
      %swap3A_352 = tpu.vector_load %arg8[%swap3A_351] {strides = array<i32>} : memref<16xf32, #tpu.memory_space<vmem>>, vector<16xf32>,
      tpu.vector_store %arg8[%swap3A_351], %max3A_349 {strides = array<i32>} : memref<16xf32, #tpu.memory_space<vmem>>, vector<16xf32>,
      %xor3A = arith.constant 8 : i32
      %xor3A_353 = vector.broadcast %xor3A : i32 to vector<16xi32>
      %xor3A_354 = arith.xori %iota3A_350, %xor3A_353 : vector<16xi32>
      %gather3A_355 = tpu.vector_load_idx %arg8[%xor3A_354] : memref<16xf32, #tpu.memory_space<vmem>>[vector<16xi32>], vector<16xf32>,
      %max3A_356 = arith.maximumf %max3A_349, %gather3A_355 : vector<16xf32>
      %swap3A_357 = arith.constant 0 : index
      %swap3A_358 = tpu.vector_load %arg8[%swap3A_357] {strides = array<i32>} : memref<16xf32, #tpu.memory_space<vmem>>, vector<16xf32>,
      tpu.vector_store %arg8[%swap3A_357], %max3A_356 {strides = array<i32>} : memref<16xf32, #tpu.memory_space<vmem>>, vector<16xf32>,
      %xor3A_359 = arith.constant 4 : i32
      %xor3A_360 = vector.broadcast %xor3A_359 : i32 to vector<16xi32>
      %xor3A_361 = arith.xori %iota3A_350, %xor3A_360 : vector<16xi32>
      %gather3A_362 = tpu.vector_load_idx %arg8[%xor3A_361] : memref<16xf32, #tpu.memory_space<vmem>>[vector<16xi32>], vector<16xf32>,
      %max3A_363 = arith.maximumf %max3A_356, %gather3A_362 : vector<16xf32>
      %swap3A_364 = arith.constant 0 : index
      %swap3A_365 = tpu.vector_load %arg8[%swap3A_364] {strides = array<i32>} : memref<16xf32, #tpu.memory_space<vmem>>, vector<16xf32>,
      tpu.vector_store %arg8[%swap3A_364], %max3A_363 {strides = array<i32>} : memref<16xf32, #tpu.memory_space<vmem>>, vector<16xf32>,
      %xor3A_366 = arith.constant 2 : i32
      %xor3A_367 = vector.broadcast %xor3A_366 : i32 to vector<16xi32>
      %xor3A_368 = arith.xori %iota3A_350, %xor3A_367 : vector<16xi32>
      %gather3A_369 = tpu.vector_load_idx %arg8[%xor3A_368] : memref<16xf32, #tpu.memory_space<vmem>>[vector<16xi32>], vector<16xf32>,
      %max3A_370 = arith.maximumf %max3A_363, %gather3A_369 : vector<16xf32>
      %swap3A_371 = arith.constant 0 : index
      %swap3A_372 = tpu.vector_load %arg8[%swap3A_371] {strides = array<i32>} : memref<16xf32, #tpu.memory_space<vmem>>, vector<16xf32>,
      tpu.vector_store %arg8[%swap3A_371], %max3A_370 {strides = array<i32>} : memref<16xf32, #tpu.memory_space<vmem>>, vector<16xf32>,
      %xor3A_373 = arith.constant 1 : i32
      %xor3A_374 = vector.broadcast %xor3A_373 : i32 to vector<16xi32>
      %xor3A_375 = arith.xori %iota3A_350, %xor3A_374 : vector<16xi32>
      %gather3A_376 = tpu.vector_load_idx %arg8[%xor3A_375] : memref<16xf32, #tpu.memory_space<vmem>>[vector<16xi32>], vector<16xf32>,
      %max3A_377 = arith.maximumf %max3A_370, %gather3A_376 : vector<16xf32>
      %get3A_378 = arith.constant 128 : index
      %get3A_379 = tpu.vector_load %arg7[%get3A_378] {strides = array<i32>} : memref<144xf32, #tpu.memory_space<vmem>>, vector<16xf32>,
      %max3A_380 = arith.maximumf %max3A_292, %get3A_379 : vector<16xf32>
      %iota3A_381 = tpu.iota {dimensions = array<i32: 0>} : vector<16xi32>
      %swap3A_382 = arith.constant 0 : index
      %swap3A_383 = tpu.vector_load %arg8[%swap3A_382] {strides = array<i32>} : memref<16xf32, #tpu.memory_space<vmem>>, vector<16xf32>,
      tpu.vector_store %arg8[%swap3A_382], %max3A_380 {strides = array<i32>} : memref<16xf32, #tpu.memory_space<vmem>>, vector<16xf32>,
      %xor3A_384 = arith.constant 8 : i32
      %xor3A_385 = vector.broadcast %xor3A_384 : i32 to vector<16xi32>
      %xor3A_386 = arith.xori %iota3A_381, %xor3A_385 : vector<16xi32>
      %gather3A_387 = tpu.vector_load_idx %arg8[%xor3A_386] : memref<16xf32, #tpu.memory_space<vmem>>[vector<16xi32>], vector<16xf32>,
      %max3A_388 = arith.maximumf %max3A_380, %gather3A_387 : vector<16xf32>
      %swap3A_389 = arith.constant 0 : index
      %swap3A_390 = tpu.vector_load %arg8[%swap3A_389] {strides = array<i32>} : memref<16xf32, #tpu.memory_space<vmem>>, vector<16xf32>,
      tpu.vector_store %arg8[%swap3A_389], %max3A_388 {strides = array<i32>} : memref<16xf32, #tpu.memory_space<vmem>>, vector<16xf32>,
      %xor3A_391 = arith.constant 4 : i32
      %xor3A_392 = vector.broadcast %xor3A_391 : i32 to vector<16xi32>
      %xor3A_393 = arith.xori %iota3A_381, %xor3A_392 : vector<16xi32>
      %gather3A_394 = tpu.vector_load_idx %arg8[%xor3A_393] : memref<16xf32, #tpu.memory_space<vmem>>[vector<16xi32>], vector<16xf32>,
      %max3A_395 = arith.maximumf %max3A_388, %gather3A_394 : vector<16xf32>
      %swap3A_396 = arith.constant 0 : index
      %swap3A_397 = tpu.vector_load %arg8[%swap3A_396] {strides = array<i32>} : memref<16xf32, #tpu.memory_space<vmem>>, vector<16xf32>,
      tpu.vector_store %arg8[%swap3A_396], %max3A_395 {strides = array<i32>} : memref<16xf32, #tpu.memory_space<vmem>>, vector<16xf32>,
      %xor3A_398 = arith.constant 2 : i32
      %xor3A_399 = vector.broadcast %xor3A_398 : i32 to vector<16xi32>
      %xor3A_400 = arith.xori %iota3A_381, %xor3A_399 : vector<16xi32>
      %gather3A_401 = tpu.vector_load_idx %arg8[%xor3A_400] : memref<16xf32, #tpu.memory_space<vmem>>[vector<16xi32>], vector<16xf32>,
      %max3A_402 = arith.maximumf %max3A_395, %gather3A_401 : vector<16xf32>
      %swap3A_403 = arith.constant 0 : index
      %swap3A_404 = tpu.vector_load %arg8[%swap3A_403] {strides = array<i32>} : memref<16xf32, #tpu.memory_space<vmem>>, vector<16xf32>,
      tpu.vector_store %arg8[%swap3A_403], %max3A_402 {strides = array<i32>} : memref<16xf32, #tpu.memory_space<vmem>>, vector<16xf32>,
      %xor3A_405 = arith.constant 1 : i32
      %xor3A_406 = vector.broadcast %xor3A_405 : i32 to vector<16xi32>
      %xor3A_407 = arith.xori %iota3A_381, %xor3A_406 : vector<16xi32>
      %gather3A_408 = tpu.vector_load_idx %arg8[%xor3A_407] : memref<16xf32, #tpu.memory_space<vmem>>[vector<16xi32>], vector<16xf32>,
      %max3A_409 = arith.maximumf %max3A_402, %gather3A_408 : vector<16xf32>
      %convert_element_type3A_410 = arith.fptosi %max3A_377 : vector<16xf32> to vector<16xi32>
      %jit3A_411 = arith.constant 0 : i32
      %jit3A_412 = arith.constant 127 : i32
      %max3A_413 = vector.broadcast %jit3A_411 : i32 to vector<16xi32>
      %max3A_414 = arith.maxsi %max3A_413, %convert_element_type3A_410 : vector<16xi32>
      %min3A = vector.broadcast %jit3A_412 : i32 to vector<16xi32>
      %min3A_415 = arith.minsi %min3A, %max3A_414 : vector<16xi32>
      %convert_element_type3A_416 = arith.fptosi %max3A_409 : vector<16xf32> to vector<16xi32>
      %jit3A_417 = arith.constant 0 : i32
      %jit3A_418 = arith.constant 127 : i32
      %max3A_419 = vector.broadcast %jit3A_417 : i32 to vector<16xi32>
      %max3A_420 = arith.maxsi %max3A_419, %convert_element_type3A_416 : vector<16xi32>
      %min3A_421 = vector.broadcast %jit3A_418 : i32 to vector<16xi32>
      %min3A_422 = arith.minsi %min3A_421, %max3A_420 : vector<16xi32>
      %mul3A_423 = arith.constant 128 : i32
      %mul3A_424 = vector.broadcast %mul3A_423 : i32 to vector<16xi32>
      %mul3A_425 = arith.muli %min3A_415, %mul3A_424 : vector<16xi32>
      %add3A_426 = arith.addi %mul3A_425, %min3A_422 : vector<16xi32>
      %swap3A_427 = arith.constant 0 : index
      %swap3A_428 = tpu.vector_load %arg9[%swap3A_427] {strides = array<i32>} : memref<16xi32, #tpu.memory_space<vmem>>, vector<16xi32>,
      tpu.vector_store %arg9[%swap3A_427], %add3A_426 {strides = array<i32>} : memref<16xi32, #tpu.memory_space<vmem>>, vector<16xi32>,
      %dma_start3A = arith.constant 0 : i32
      %dma_start3A_429 = arith.constant 0 : i32
      %dma_start3A_430 = tpu.memref_slice %arg3[%dma_start3A, %dma_start3A_429] : memref<16384x128xf32, #tpu.memory_space<hbm>> -> memref<16384x128xf32, #tpu.memory_space<hbm>>
      tpu.enqueue_indirect_dma source(%dma_start3A_430 : memref<16384x128xf32, #tpu.memory_space<hbm>>) target(%arg10 : memref<16x128xf32, #tpu.memory_space<vmem>>) offsets(%arg9 : memref<16xi32, #tpu.memory_space<vmem>>) semaphore(%arg12 : memref<!tpu.dma_semaphore, #tpu.memory_space<semaphore_mem>>)
      %dma_wait3A = arith.constant 0 : i32
      %dma_wait3A_431 = arith.constant 0 : i32
      %dma_wait3A_432 = tpu.memref_slice %arg3[%dma_wait3A, %dma_wait3A_431] : memref<16384x128xf32, #tpu.memory_space<hbm>> -> memref<16384x128xf32, #tpu.memory_space<hbm>>
      tpu.wait_indirect_dma semaphore(%arg12 : memref<!tpu.dma_semaphore, #tpu.memory_space<semaphore_mem>>) src(%dma_wait3A_432 : memref<16384x128xf32, #tpu.memory_space<hbm>>) dst(%arg10 : memref<16x128xf32, #tpu.memory_space<vmem>>)
      %run_scoped3A = arith.constant 0 : i32
      %run_scoped3A_433 = arith.constant 0 : i32
      "tpu.region"() ({
        %run_scoped3A_434 = tpu.sem_alloc : memref<!tpu.dma_semaphore, #tpu.memory_space<semaphore_mem>>
        %dma_start3A_435 = arith.constant 0 : i32
        %dma_start3A_436 = tpu.memref_slice %arg10[%run_scoped3A, %dma_start3A_435] : memref<16x128xf32, #tpu.memory_space<vmem>> -> memref<1x128xf32, #tpu.memory_space<vmem>>
        %dma_start3A_437 = tpu.memref_squeeze %dma_start3A_436 : memref<1x128xf32, #tpu.memory_space<vmem>> -> memref<128xf32, #tpu.memory_space<vmem>>
        %dma_start3A_438 = arith.constant 0 : i32
        %dma_start3A_439 = tpu.memref_slice %arg4[%add3A, %run_scoped3A_433, %dma_start3A_438] : memref<16x1x128xf32, #tpu.memory_space<hbm>> -> memref<1x1x128xf32, #tpu.memory_space<hbm>>
        %dma_start3A_440 = tpu.memref_squeeze %dma_start3A_439 : memref<1x1x128xf32, #tpu.memory_space<hbm>> -> memref<128xf32, #tpu.memory_space<hbm>>
        %dma_start3A_441 = arith.constant 0 : i32
        %dma_start3A_442 = tpu.memref_slice %arg4[%add3A, %run_scoped3A_433, %dma_start3A_441] : memref<16x1x128xf32, #tpu.memory_space<hbm>> -> memref<1x1x128xf32, #tpu.memory_space<hbm>>
        %dma_start3A_443 = tpu.memref_squeeze %dma_start3A_442 : memref<1x1x128xf32, #tpu.memory_space<hbm>> -> memref<128xf32, #tpu.memory_space<hbm>>
        %dma_start3A_444 = arith.constant 0 : i32
        %dma_start3A_445 = tpu.memref_slice %arg10[%run_scoped3A, %dma_start3A_444] : memref<16x128xf32, #tpu.memory_space<vmem>> -> memref<1x128xf32, #tpu.memory_space<vmem>>
        %dma_start3A_446 = tpu.memref_squeeze %dma_start3A_445 : memref<1x128xf32, #tpu.memory_space<vmem>> -> memref<128xf32, #tpu.memory_space<vmem>>
        tpu.enqueue_dma source(%dma_start3A_446 : memref<128xf32, #tpu.memory_space<vmem>>) target(%dma_start3A_443 : memref<128xf32, #tpu.memory_space<hbm>>) target_semaphore(%run_scoped3A_434 : memref<!tpu.dma_semaphore, #tpu.memory_space<semaphore_mem>>)
        %dma_wait3A_447 = arith.constant 0 : i32
        %dma_wait3A_448 = tpu.memref_slice %arg10[%run_scoped3A, %dma_wait3A_447] : memref<16x128xf32, #tpu.memory_space<vmem>> -> memref<1x128xf32, #tpu.memory_space<vmem>>
        %dma_wait3A_449 = tpu.memref_squeeze %dma_wait3A_448 : memref<1x128xf32, #tpu.memory_space<vmem>> -> memref<128xf32, #tpu.memory_space<vmem>>
        %dma_wait3A_450 = arith.constant 0 : i32
        %dma_wait3A_451 = tpu.memref_slice %arg4[%add3A, %run_scoped3A_433, %dma_wait3A_450] : memref<16x1x128xf32, #tpu.memory_space<hbm>> -> memref<1x1x128xf32, #tpu.memory_space<hbm>>
        %dma_wait3A_452 = tpu.memref_squeeze %dma_wait3A_451 : memref<1x1x128xf32, #tpu.memory_space<hbm>> -> memref<128xf32, #tpu.memory_space<hbm>>
        %dma_wait3A_453 = arith.constant 0 : i32
        %dma_wait3A_454 = tpu.memref_slice %arg4[%add3A, %run_scoped3A_433, %dma_wait3A_453] : memref<16x1x128xf32, #tpu.memory_space<hbm>> -> memref<1x1x128xf32, #tpu.memory_space<hbm>>
        %dma_wait3A_455 = tpu.memref_squeeze %dma_wait3A_454 : memref<1x1x128xf32, #tpu.memory_space<hbm>> -> memref<128xf32, #tpu.memory_space<hbm>>
        %dma_wait3A_456 = arith.constant 0 : i32
        %dma_wait3A_457 = tpu.memref_slice %arg10[%run_scoped3A, %dma_wait3A_456] : memref<16x128xf32, #tpu.memory_space<vmem>> -> memref<1x128xf32, #tpu.memory_space<vmem>>
        %dma_wait3A_458 = tpu.memref_squeeze %dma_wait3A_457 : memref<1x128xf32, #tpu.memory_space<vmem>> -> memref<128xf32, #tpu.memory_space<vmem>>
        tpu.wait_dma2 semaphore(%run_scoped3A_434 : memref<!tpu.dma_semaphore, #tpu.memory_space<semaphore_mem>>) src(%dma_wait3A_458 : memref<128xf32, #tpu.memory_space<vmem>>) dst(%dma_wait3A_455 : memref<128xf32, #tpu.memory_space<hbm>>)
        tpu.yield
      }) : () -> ()
    } else {
    }
    return
  }
}

module attributes {stable_mosaic.version = 14 : i64} {
  func.func @_dense_body(%arg0: i32, %arg1: i32, %arg2: memref<1x64x128xf32, #tpu.memory_space<vmem>>, %arg3: memref<64x128x128xf32, #tpu.memory_space<vmem>>, %arg4: memref<1x1x128xf32, #tpu.memory_space<vmem>>, %arg5: memref<1x64x128x256xf32, #tpu.memory_space<vmem>>) attributes {dimension_semantics = [#tpu.dimension_semantics<arbitrary>, #tpu.dimension_semantics<arbitrary>], iteration_bounds = array<i64: 2, 16>, scalar_prefetch = 0 : i64, scratch_operands = 0 : i64, tpu.core_type = #tpu.core_type<tc>, window_params = [{transform_indices = @transform_0, window_bounds = array<i64: 1, 64, 128>}, {transform_indices = @transform_1, window_bounds = array<i64: 64, 128, 128>}, {transform_indices = @transform_2, window_bounds = array<i64: 1, 1, 128>}, {transform_indices = @transform_3, window_bounds = array<i64: 1, 64, 128, 256>}]} {
    %get3A = arith.constant 0 : index
    %get3A_0 = arith.constant 0 : index
    %get3A_1 = arith.constant 0 : index
    %get3A_2 = vector.load %arg2[%get3A, %get3A_0, %get3A_1] : memref<1x64x128xf32, #tpu.memory_space<vmem>>, vector<1x64x128xf32>
    %get3A_3 = vector.shape_cast %get3A_2 : vector<1x64x128xf32> to vector<64x128xf32>
    %broadcast_in_dim3A = vector.shape_cast %get3A_3 : vector<64x128xf32> to vector<64x128x1xf32>
    %get3A_4 = arith.constant 0 : index
    %get3A_5 = arith.constant 0 : index
    %get3A_6 = arith.constant 0 : index
    %get3A_7 = vector.load %arg3[%get3A_4, %get3A_5, %get3A_6] : memref<64x128x128xf32, #tpu.memory_space<vmem>>, vector<64x128x128xf32>
    %get3A_8 = arith.constant 0 : index
    %get3A_9 = arith.constant 0 : index
    %get3A_10 = arith.constant 0 : index
    %get3A_11 = vector.load %arg4[%get3A_8, %get3A_9, %get3A_10] : memref<1x1x128xf32, #tpu.memory_space<vmem>>, vector<1x1x128xf32>
    %get3A_12 = vector.shape_cast %get3A_11 : vector<1x1x128xf32> to vector<128xf32>
    %mul3A = vector.broadcast %broadcast_in_dim3A : vector<64x128x1xf32> to vector<64x128x128xf32>
    %mul3A_13 = arith.mulf %get3A_7, %mul3A : vector<64x128x128xf32>
    %swap3A = arith.constant 0 : index
    %swap3A_14 = arith.constant 0 : index
    %swap3A_15 = arith.constant 0 : index
    %swap3A_16 = arith.constant 0 : index
    %swap3A_17 = vector.load %arg5[%swap3A, %swap3A_14, %swap3A_15, %swap3A_16] : memref<1x64x128x256xf32, #tpu.memory_space<vmem>>, vector<1x64x128x128xf32>
    %swap3A_18 = vector.shape_cast %swap3A_17 : vector<1x64x128x128xf32> to vector<64x128x128xf32>
    %swap3A_19 = vector.shape_cast %mul3A_13 : vector<64x128x128xf32> to vector<1x64x128x128xf32>
    tpu.vector_store %arg5[%swap3A, %swap3A_14, %swap3A_15, %swap3A_16], %swap3A_19 {strides = array<i32>} : memref<1x64x128x256xf32, #tpu.memory_space<vmem>>, vector<1x64x128x128xf32>,
    %broadcast_in_dim3A_20 = vector.shape_cast %get3A_12 : vector<128xf32> to vector<1x1x128xf32>
    %mul3A_21 = vector.broadcast %broadcast_in_dim3A_20 : vector<1x1x128xf32> to vector<64x128x128xf32>
    %mul3A_22 = vector.broadcast %broadcast_in_dim3A : vector<64x128x1xf32> to vector<64x128x128xf32>
    %mul3A_23 = arith.mulf %mul3A_21, %mul3A_22 : vector<64x128x128xf32>
    %swap3A_24 = arith.constant 0 : index
    %swap3A_25 = arith.constant 0 : index
    %swap3A_26 = arith.constant 0 : index
    %swap3A_27 = arith.constant 128 : index
    %swap3A_28 = vector.load %arg5[%swap3A_24, %swap3A_25, %swap3A_26, %swap3A_27] : memref<1x64x128x256xf32, #tpu.memory_space<vmem>>, vector<1x64x128x128xf32>
    %swap3A_29 = vector.shape_cast %swap3A_28 : vector<1x64x128x128xf32> to vector<64x128x128xf32>
    %swap3A_30 = vector.shape_cast %mul3A_23 : vector<64x128x128xf32> to vector<1x64x128x128xf32>
    tpu.vector_store %arg5[%swap3A_24, %swap3A_25, %swap3A_26, %swap3A_27], %swap3A_30 {strides = array<i32>} : memref<1x64x128x256xf32, #tpu.memory_space<vmem>>, vector<1x64x128x128xf32>,
    return
  }
  func.func @transform_0(%arg0: i32, %arg1: i32) -> (i32, i32, i32) {
    %c0_i32 = arith.constant 0 : i32
    %c0_i32_0 = arith.constant 0 : i32
    return %arg1, %arg0, %c0_i32 : i32, i32, i32
  }
  func.func @transform_1(%arg0: i32, %arg1: i32) -> (i32, i32, i32) {
    %c0_i32 = arith.constant 0 : i32
    %c0_i32_0 = arith.constant 0 : i32
    %c0_i32_1 = arith.constant 0 : i32
    return %arg0, %c0_i32, %c0_i32_0 : i32, i32, i32
  }
  func.func @transform_2(%arg0: i32, %arg1: i32) -> (i32, i32, i32) {
    %c0_i32 = arith.constant 0 : i32
    %c0_i32_0 = arith.constant 0 : i32
    %c0_i32_1 = arith.constant 0 : i32
    return %arg1, %c0_i32, %c0_i32_0 : i32, i32, i32
  }
  func.func @transform_3(%arg0: i32, %arg1: i32) -> (i32, i32, i32, i32) {
    %c0_i32 = arith.constant 0 : i32
    %c0_i32_0 = arith.constant 0 : i32
    %c0_i32_1 = arith.constant 0 : i32
    return %arg1, %arg0, %c0_i32, %c0_i32_0 : i32, i32, i32, i32
  }
}

</mosaic_0001>

<sc_bundles>
// kernel: kernel.4.cloned.1.call-start
scs
__scs_entry_jumppad:
0x0: {  	(pc) =	sbr.rel $0x88, $3  }
0x1: {  	(tag) =	ssettag $0x0;
	lr =	simm.s32 $0x1  }
0x2: {  	[smem:$0x3F9F] =	sst lr;
	_ =	strace $0xD0000000  }
0x3: {  	_ = 	snop  }
0x4: {  	_ = 	snop  }
0x5: {  	_ = 	snop  }
0x6: {  	_ = 	snop  }
0x7: {  	_ = 	snop  }
__scs_overlays_trampoline_lowered:
0x8: {  	[smem:$0x3FAE] =	sst s0  }
0x9: {  	[smem:$0x3FAF] =	sst s1  }
0xa: {  	[smem:$0x3FB0] =	sst s2  }
0xb: {  	[smem:$0x3FB1] =	sst s3  }
0xc: {  	[smem:$0x3FB2] =	sst s4  }
0xd: {  	[smem:$0x3FB3] =	sst s5  }
0xe: {  	[smem:$0x3FB4] =	sst s6  }
0xf: {  	[smem:$0x3FB5] =	sst s7  }
0x10: {  	[smem:$0x3FB6] =	sst s8  }
0x11: {  	[smem:$0x3FB7] =	sst s9;
	s0 =	simm.s32 @!p0 $0x0  }
0x12: {  	s1 =	sld [smem:$0x3F9D];
	s0 =	simm.s32 @p0 $0x1  }
0x13: {  	[smem:$0x3FB8] =	sst s0;
	s0 =	simm.s32 @!p1 $0x0  }
0x14: {  	s2 =	sld [smem:$0x3F9C];
	s0 =	simm.s32 @p1 $0x1  }
0x15: {  	[smem:$0x3FB9] =	sst s0;
	s0 =	simm.s32 @!p2 $0x0  }
0x16: {  	s3 =	sld [smem:$0x3FDB];
	s0 =	simm.s32 @p2 $0x1  }
0x17: {  	s4 =	simm.s32 $0x1BF5;
	[smem:$0x3FBB] =	sst s0  }
0x18: {  	s0 =	sld [smem:$0x3F9E];
	_ =	swait.ge [sflag:s4], $0x0  }
0x19: {  	s7 =	sld [smem:$0x3F9F]  }
0x1a: {  	s8 =	sadd.s32 $0xFFFFE003, lr  }
0x1b: {  	s9 =	sadd.s32 $0xFFFFFEF7, lr;
	s5 =	simm.s32 $0xFFFFFFFF;
	p2 =	slt.u32 s8, $0xFFFFF086  }
0x1c: {  	p1 =	slt.u32 s9, $0xF7A;
	s5 =	simm.s32 @!p2 $0x0  }
0x1d: {  	s5 =	simm.s32 @p1 $0x1;
	p0 =	seq.s32 s7, s2  }
0x1e: {  	s7 =	smul.u32 @!p0 $0xF7A, s2;
	p2 =	seq.s32 @!p0 s5, $0x0  }
0x1f: {  	s9 =	smul.u32 $0xF7A, s1;
	s8 =	simm.s32 @!p0 $0x1BF5;
	p2 =	por !p2, p0  }
0x20: {  	[sflag:s8] =	ssyncset.s32 @!p0 $0xFFFFF086;
	s6 =	sadd.s32 @!p0 s3, s7;
	s7 =	simm.s32 @!p0 $0x108  }
0x21: {  	s3 =	sadd.s32 s3, s9;
	s6 =	sadd.s32 @!p0 $0x88, s6;
	s7 =	simm.s32 @p2 $0x1082  }
0x22: {  	[simem:s7], [sflag:s8] =	dma.local @!p0 [hbm:s6], $0xF7A  }
0x23: {  	s9 =	sor.u32 $0xD0000000, s2;
	s6 =	simm.s32 $0x108;
	_ =	swait.ge @!p0 [sflag:s8], $0x0  }
0x24: {  	s3 =	sadd.s32 $0x88, s3;
	s6 =	simm.s32 @!p1 $0x1082;
	[sflag:s4] =	ssyncset.s32 $0xFFFFF086  }
0x25: {  	[simem:s6], [sflag:s4] =	dma.local [hbm:s3], $0xF7A  }
0x26: {  	[smem:$0x3F9F] =	sst s1;
	(tag) =	ssettag s2;
	_ =	strace s9  }
0x27: {  	s1 =	sld [smem:$0x3FAF]  }
0x28: {  	s2 =	sld [smem:$0x3FB0]  }
0x29: {  	s4 =	sld [smem:$0x3FB2]  }
0x2a: {  	p0 =	seq.s32 s5, $0x0;
	s5 =	sld [smem:$0x3FB3]  }
0x2b: {  	s6 =	sld [smem:$0x3FB4]  }
0x2c: {  	s7 =	sld [smem:$0x3FB5]  }
0x2d: {  	s3 =	simm.s32 $0x108;
	s8 =	sld [smem:$0x3FB6]  }
0x2e: {  	s3 =	simm.s32 @!p0 $0x1082;
	s9 =	sld [smem:$0x3FB7]  }
0x2f: {  	lr =	sadd.s32 s0, s3;
	s0 =	sld [smem:$0x3FAE]  }
0x30: {  	s3 =	sld [smem:$0x3FB1]  }
0x31: {  	[smem:$0x3FBA] =	sst s10  }
0x32: {  	s10 =	sld [smem:$0x3FB8];
	_ =	sdelay $0x3  }
0x33: {  	p0 =	seq.s32 s10, $0x1;
	s10 =	sld [smem:$0x3FBA];
	_ =	sdelay $0x3  }
0x34: {  	[smem:$0x3FBA] =	sst s10  }
0x35: {  	s10 =	sld [smem:$0x3FB9];
	_ =	sdelay $0x3  }
0x36: {  	p1 =	seq.s32 s10, $0x1;
	s10 =	sld [smem:$0x3FBA];
	_ =	sdelay $0x3  }
0x37: {  	[smem:$0x3FBA] =	sst s10  }
0x38: {  	s10 =	sld [smem:$0x3FBB]  }
0x39: {  	_ = 	snop;
	(pc) =	sbr.ind lr, $3  }
0x3a: {  	_ = 	snop  }
0x3b: {  	_ = 	snop  }
0x3c: {  	p2 =	seq.s32 s10, $0x1;
	s10 =	sld [smem:$0x3FBA]  }
0x3d: {  	_ =	shalt  }
0x3e: {  	_ =	shalt  }
0x3f: {  	_ =	shalt  }
0x40: {  	_ =	shalt  }
0x41: {  	_ =	shalt  }
0x42: {  	_ =	shalt  }
0x43: {  	_ =	shalt  }
0x44: {  	_ =	shalt  }
0x45: {  	_ =	shalt  }
0x46: {  	_ =	shalt  }
0x47: {  	_ =	shalt  }
0x48: {  	_ =	shalt  }
0x49: {  	_ =	shalt  }
0x4a: {  	_ =	shalt  }
0x4b: {  	_ =	shalt  }
0x4c: {  	_ =	shalt  }
0x4d: {  	_ =	shalt  }
0x4e: {  	_ =	shalt  }
0x4f: {  	_ =	shalt  }
0x50: {  	_ =	shalt  }
0x51: {  	_ =	shalt  }
0x52: {  	_ =	shalt  }
0x53: {  	_ =	shalt  }
0x54: {  	_ =	shalt  }
0x55: {  	_ =	shalt  }
0x56: {  	_ =	shalt  }
0x57: {  	_ =	shalt  }
0x58: {  	_ =	shalt  }
0x59: {  	_ =	shalt  }
0x5a: {  	_ =	shalt  }
0x5b: {  	_ =	shalt  }
0x5c: {  	_ =	shalt  }
0x5d: {  	_ =	shalt  }
0x5e: {  	_ =	shalt  }
0x5f: {  	_ =	shalt  }
0x60: {  	_ =	shalt  }
0x61: {  	_ =	shalt  }
0x62: {  	_ =	shalt  }
0x63: {  	_ =	shalt  }
0x64: {  	_ =	shalt  }
0x65: {  	_ =	shalt  }
0x66: {  	_ =	shalt  }
0x67: {  	_ =	shalt  }
0x68: {  	_ =	shalt  }
0x69: {  	_ =	shalt  }
0x6a: {  	_ =	shalt  }
0x6b: {  	_ =	shalt  }
0x6c: {  	_ =	shalt  }
0x6d: {  	_ =	shalt  }
0x6e: {  	_ =	shalt  }
0x6f: {  	_ =	shalt  }
0x70: {  	_ =	shalt  }
0x71: {  	_ =	shalt  }
0x72: {  	_ =	shalt  }
0x73: {  	_ =	shalt  }
0x74: {  	_ =	shalt  }
0x75: {  	_ =	shalt  }
0x76: {  	_ =	shalt  }
0x77: {  	_ =	shalt  }
0x78: {  	_ =	shalt  }
0x79: {  	_ =	shalt  }
0x7a: {  	_ =	shalt  }
0x7b: {  	_ =	shalt  }
0x7c: {  	_ =	shalt  }
0x7d: {  	_ =	shalt  }
0x7e: {  	_ =	shalt  }
0x7f: {  	_ =	shalt  }
0x80: {  	_ =	shalt  }
0x81: {  	_ =	shalt  }
0x82: {  	_ =	shalt  }
0x83: {  	_ =	shalt  }
0x84: {  	_ =	shalt  }
0x85: {  	_ =	shalt  }
0x86: {  	_ =	shalt  }
0x87: {  	_ =	shalt  }
.Lfunc_end0:
.L_simem_size_0:
called_computation_lowered:
.L_overlay_start_0:
0x88: {  	s2 =	sld [smem:$0x3FD9]  }
0x89: {  	s3 =	sld [smem:$0x3FFE];
	_ =	sdelay $0x1  }
0x8a: {  	s1 =	srdreg.scid  }
0x8b: {  	s0 =	sand.u32 $0x1, s1  }
0x8c: {  	s18 =	sshll.u32 s0, $0xA;
	s2 =	sadd.s32 s3, s2  }
0x8d: {  	s2 =	sadd.s32 s2, s18  }
0x8e: {  	[smem:$0x3FC6] =	sst s2  }
0x8f: {  	_ = 	snop  }
0x90: {  	s2 =	sld [smem:$0x3FC9]  }
0x91: {  	s19 =	sld [smem:$0x3FC8]  }
0x92: {  	s4 =	sld [smem:$0x3FD0];
	(tm) =	ssettm $0x1  }
0x93: {  	s5 =	sld [smem:$0x3FFB];
	_ =	sdelay $0x3  }
0x94: {  	_ =	strace s5  }
0x95: {  	s5 =	sld [smem:$0x3FFC];
	_ =	sdelay $0x3  }
0x96: {  	_ =	strace s5  }
0x97: {  	s5 =	sld [smem:$0x3FFD];
	_ =	sdelay $0x3  }
0x98: {  	_ =	strace s5  }
0x99: {  	_ =	strace $0x8FFFFFFF  }
0x9a: {  	s20 =	sld [smem:$0x3FDB];
	_ =	sdelay $0x1  }
0x9b: {  	s6 =	simm.s32 $_scs_section_size  }
0x9c: {  	s7 =	simm.s32 $_size__tile_overlayer_lowered;
	s8 =	simm.s32 $_tile_overlayer_lowered  }
0x9d: {  	s23 =	simm.s32 $0x1BFF;
	s22 =	sshll.u32 s8, $0x1;
	s5 =	sadd.s32 s6, s20  }
0x9e: {  	s9 =	simm.s32 $0x0;
	s21 =	sshll.u32 s7, $0x1;
	s7 =	sadd.s32 s22, s5  }
0x9f: {  	[timem:s9], [sflag:s23] =	dma.local [hbm:s7], s21  }
0xa0: {  	_ =	swait.ge [sflag:s23], s21  }
0xa1: {  	s6 =	ssub.s32 $0x0, s21;
	[sflag:s23] =	ssyncset.done $0x0  }
0xa2: {  	[sflag:s23] =	ssyncadd.s32 s6;
	_ =	sdelay $0x1  }
0xa3: {  	s24 =	simm.s32 $0x1B8B  }
0xa4: {  	_ =	swait.ge [sflag:s24], $0x1  }
0xa5: {  	[sflag:s24] =	ssyncset.done $0x0  }
0xa6: {  	s25 =	simm.s32 $0x1B8E;
	[sflag:s24] =	ssyncadd.s32 $0xFFFFFFFF  }
0xa7: {  	s26 =	simm.s32 $execute0_lowered;
	[smem:$0x3FD2] =	sst s25  }
0xa8: {  	s6 =	sshll.u32 s26, $0x1;
	_ =	strace $0x80000046;
	[dreg:$0x1] =	wrdreg $0xFFFFFFFF  }
0xa9: {  	s28 =	simm.s32 $_size_execute0_lowered;
	s5 =	sadd.s32 s5, s6;
	[dreg:$0x0] =	wrdreg $0x0  }
0xaa: {  	s6 =	sshll.u32 s28, $0x1;
	[dreg:$0x2] =	wrdreg s5  }
0xab: {  	[dreg:$0x3] =	wrdreg s6  }
0xac: {  	[dreg:$0x4] =	wrdreg $0xC0  }
0xad: {  	_ =	task [dreg:s9], $0x5FFFF  }
0xae: {  	[dreg:$0x1] =	wrdreg $0xFFFFFFFF  }
0xaf: {  	[dreg:$0x0] =	wrdreg $0x60  }
0xb0: {  	[dreg:$0x2] =	wrdreg s2  }
0xb1: {  	[dreg:$0x3] =	wrdreg s19  }
0xb2: {  	[dreg:$0x4] =	wrdreg s4  }
0xb3: {  	[dreg:$0x5] =	wrdreg $0x4A000  }
0xb4: {  	[dreg:$0x6] =	wrdreg $0x9  }
0xb5: {  	_ =	task.clear_ibuf [dreg:s9], $0x7FFFF;
	_ =	strace $0x90000046  }
0xb6: {  	s29 =	simm.s32 $0x9;
	_ =	strace $0x80000048  }
0xb7: {  	_ =	swait.ge [sflag:s29], $0x1  }
0xb8: {  	[sflag:s29] =	ssyncadd.s32 $0xFFFFFFFF  }
0xb9: {  	_ =	strace $0x90000048  }
0xba: {  	_ =	sfence  }
0xbb: {  	s30 =	sld [smem:$0x0];
	_ =	sdelay $0x2  }
0xbc: {  	s31 =	sshll.u32 s1, $0xD;
	s1 =	sshrl.u32 s1, $0x2  }
0xbd: {  	s3 =	sand.u32 $0x4000, s31;
	s1 =	sadd.s32 s1, s30  }
0xbe: {  	s0 =	sor.u32 s3, s0;
	s1 =	sshll.u32 s1, $0x11  }
0xbf: {  	s0 =	sor.u32 s1, s0  }
0xc0: {  	s0 =	sadd.s32 $0x8F2B, s0  }
0xc1: {  	[sflag:s0] =	ssyncadd.remote.s32 $0x1  }
0xc2: {  	_ =	sfence.sel $0xFFFF  }
0xc3: {  	[dreg:$0x0] =	wrdreg $0xFFFFFFFF;
	(pc) =	sbr.abs _section_cstart, $3  }
0xc4: {  	[dreg:$0x1] =	wrdreg $0xFFFFFFFF  }
0xc5: {  	_ =	task.clear_ibuf [dreg:s9], $0x2FFFF;
	_ =	strace $0x9FFFFFFF  }
0xc6: {  	(tm) =	ssettm $0x7FFFFFFF  }
0xc7: {  	_ =	shalt  }
tec
execute0_lowered:
.L_overlay_start_1:
0x0: {  	(tag) =	ssettag $0x1  }
0x1: {  	v0 =	vlaneseq.u32  }
0x2: {  	v0 =	vmul.u32 $0x80, v0;
	_ =	sdelay $0x1  }
0x3: {  	v1 =	vor.u32 $0x1, v0  }
0x4: {  	v2 =	vor.u32 $0x1007, v0;
	[tilespmem:$0x1FD20] =	vst v1  }
0x5: {  	v1 =	vor.u32 $0x2, v0;
	[tilespmem:$0x1FF80] =	vst v2  }
0x6: {  	v2 =	vor.u32 $0x1008, v0;
	[tilespmem:$0x1FD30] =	vst v1  }
0x7: {  	v1 =	vor.u32 $0x3, v0;
	[tilespmem:$0x1FF90] =	vst v2  }
0x8: {  	v2 =	vor.u32 $0x1009, v0;
	[tilespmem:$0x1FD40] =	vst v1  }
0x9: {  	v1 =	vor.u32 $0x4, v0;
	[tilespmem:$0x1FFA0] =	vst v2  }
0xa: {  	v2 =	vor.u32 $0x100A, v0;
	[tilespmem:$0x1FD50] =	vst v1  }
0xb: {  	v1 =	vor.u32 $0x5, v0;
	[tilespmem:$0x1FFB0] =	vst v2  }
0xc: {  	[tilespmem:$0x1FD60] =	vst v1;
	v1 =	vor.u32 $0x6, v0  }
0xd: {  	[tilespmem:$0x1FD70] =	vst v1;
	v1 =	vor.u32 $0x7, v0  }
0xe: {  	[tilespmem:$0x1FD80] =	vst v1;
	v1 =	vor.u32 $0x8, v0  }
0xf: {  	[tilespmem:$0x1FD90] =	vst v1;
	v1 =	vor.u32 $0x9, v0  }
0x10: {  	[tilespmem:$0x1FDA0] =	vst v1;
	v1 =	vor.u32 $0xA, v0  }
0x11: {  	[tilespmem:$0x1FDB0] =	vst v1;
	v1 =	vor.u32 $0xB, v0  }
0x12: {  	[tilespmem:$0x1FDC0] =	vst v1;
	v1 =	vor.u32 $0xC, v0  }
0x13: {  	[tilespmem:$0x1FDD0] =	vst v1;
	v1 =	vor.u32 $0xD, v0  }
0x14: {  	[tilespmem:$0x1FDE0] =	vst v1;
	v1 =	vor.u32 $0xE, v0  }
0x15: {  	[tilespmem:$0x1FDF0] =	vst v1;
	v1 =	vor.u32 $0xF, v0  }
0x16: {  	[tilespmem:$0x1FE00] =	vst v1;
	v1 =	vor.u32 $0x800, v0  }
0x17: {  	[tilespmem:$0x1FE10] =	vst v1;
	v1 =	vor.u32 $0x801, v0  }
0x18: {  	[tilespmem:$0x1FE20] =	vst v1;
	v1 =	vor.u32 $0x802, v0  }
0x19: {  	[tilespmem:$0x1FE30] =	vst v1;
	v1 =	vor.u32 $0x803, v0  }
0x1a: {  	[tilespmem:$0x1FE40] =	vst v1;
	v1 =	vor.u32 $0x804, v0  }
0x1b: {  	[tilespmem:$0x1FE50] =	vst v1;
	v1 =	vor.u32 $0x805, v0  }
0x1c: {  	[tilespmem:$0x1FE60] =	vst v1;
	v1 =	vor.u32 $0x806, v0  }
0x1d: {  	[tilespmem:$0x1FE70] =	vst v1;
	v1 =	vor.u32 $0x807, v0  }
0x1e: {  	[tilespmem:$0x1FE80] =	vst v1;
	v1 =	vor.u32 $0x808, v0  }
0x1f: {  	[tilespmem:$0x1FE90] =	vst v1;
	v1 =	vor.u32 $0x809, v0  }
0x20: {  	[tilespmem:$0x1FEA0] =	vst v1;
	v1 =	vor.u32 $0x80A, v0  }
0x21: {  	[tilespmem:$0x1FEB0] =	vst v1;
	v1 =	vor.u32 $0x80B, v0  }
0x22: {  	[tilespmem:$0x1FEC0] =	vst v1;
	v1 =	vor.u32 $0x80C, v0  }
0x23: {  	[tilespmem:$0x1FED0] =	vst v1;
	v1 =	vor.u32 $0x80D, v0  }
0x24: {  	s4 =	rddreg [dreg:$0x0];
	[tilespmem:$0x1FEE0] =	vst v1;
	v1 =	vor.u32 $0x80E, v0  }
0x25: {  	s0 =	rddreg [dreg:$0x1];
	[tilespmem:$0x1FEF0] =	vst v1;
	v1 =	vor.u32 $0x80F, v0  }
0x26: {  	s7 =	rddreg [dreg:$0x2];
	[tilespmem:$0x1FF00] =	vst v1;
	v1 =	vor.u32 $0x1000, v0  }
0x27: {  	s5 =	rddreg [dreg:$0x3];
	s3 =	srdreg.scid;
	[tilespmem:$0x1FF10] =	vst v1;
	v1 =	vor.u32 $0x1001, v0  }
0x28: {  	s1 =	rddreg [dreg:$0x4];
	s2 =	stileid.u32;
	v4 =	vimm.s32 $0x32107654;
	v5 =	vimm.s32 $0xDCFE98BA;
	[tilespmem:$0x1FF20] =	vst v1;
	v1 =	vor.u32 $0x1002, v0  }
0x29: {  	v44 =	vimm.s32 $0x54761032;
	s15 =	simm.s32 $0x10;
	s16 =	simm.s32 $0x4180;
	s17 =	simm.s32 $0x4200;
	[tilespmem:$0x1FF30] =	vst v1;
	v1 =	vor.u32 $0x1003, v0  }
0x2a: {  	v45 =	vimm.s32 $0xEFCDAB89;
	v46 =	vimm.s32 $0x67452301;
	s18 =	simm.s32 $0x1;
	s19 =	simm.s32 $0x0;
	s6 =	sand.u32 $0x1, s3;
	[tilespmem:$0x1FF40] =	vst v1;
	v1 =	vor.u32 $0x1004, v0  }
0x2b: {  	s3 =	simm.s32 $0x0;
	s9 =	sand.u32 $0x7, s2;
	s12 =	sshll.u32 s2, $0x7;
	v4 =	vunpack.c.l.s4.s8 v4;
	v5 =	vunpack.c.l.s4.s8 v5;
	[tilespmem:$0x1FF50] =	vst v1;
	v1 =	vor.u32 $0x1005, v0  }
0x2c: {  	s13 =	sshll.u32 s2, $0x8;
	v44 =	vunpack.c.l.s4.s8 v44;
	v45 =	vunpack.c.l.s4.s8 v45;
	p0 =	sgt.u32 s2, $0x7;
	s8 =	sshll.u32 s6, $0x3;
	[tilespmem:$0x1FF60] =	vst v1;
	v1 =	vor.u32 $0x1006, v0  }
0x2d: {  	v46 =	vunpack.c.l.s4.s8 v46;
	[smem:$0x7FF] =	sst s3;
	s14 =	sand.u32 $0x400, s12;
	s13 =	sand.u32 $0x800, s13;
	v3 =	vor.u32 $0x100B, v0;
	v4 =	vunpack.c.0.s8.s32 v4;
	[tilespmem:$0x1FF70] =	vst v1  }
0x2e: {  	s30 =	ssub.s32 $0x2, s6;
	s6 =	sshll.u32 s6, $0xC;
	v5 =	vunpack.c.0.s8.s32 v5;
	v47 =	vunpack.c.0.s8.s32 v44;
	_ =	strace $0x80000047;
	[tilespmem:$0x1FFC0] =	vst v3;
	v3 =	vimm.s32 $0xBA98FEDC  }
0x2f: {  	s31 =	sand.u32 $0x380, s12;
	s12 =	simm.s32 $0x400;
	s8 =	sor.u32 s9, s8;
	v45 =	vunpack.c.0.s8.s32 v45;
	v1 =	vimm.s32 $0xFEDCBA98;
	v3 =	vunpack.c.l.s4.s8 v3  }
0x30: {  	s11 =	sshrl.u32 s30, $0x1;
	s5 =	sadd.s32 s6, s5;
	s4 =	sadd.s32 s4, s14;
	v46 =	vunpack.c.0.s8.s32 v46;
	v2 =	vimm.s32 $0x76543210;
	v1 =	vunpack.c.l.s4.s8 v1  }
.Ltmp0:
0x31: {  	v60 =	vor.u32 $0x100C, v0;
	s14 =	simm.s32 $0x4100;
	s10 =	sshll.u32 s8, $0xB;
	v2 =	vunpack.c.l.s4.s8 v2;
	v3 =	vunpack.c.0.s8.s32 v3;
	(pc) =	sbr.rel .LBB2_1-.Ltmp0, $4  }
0x32: {  	v6 =	vor.u32 $0x100D, v0;
	s9 =	ssub.s32 s30, s11;
	s5 =	sadd.s32 s13, s5;
	s8 =	sshll.u32 s8, $0x4;
	v61 =	vcombine.low v47, v5;
	v1 =	vunpack.c.0.s8.s32 v1  }
0x33: {  	s11 =	simm.s32 $0x80;
	s13 =	simm.s32 $0x4000;
	s4 =	sadd.s32 s10, s4;
	v62 =	vcombine.low v46, v45;
	v2 =	vunpack.c.0.s8.s32 v2;
	[tilespmem:$0x1FFD0] =	vst v60;
	v3 =	vcombine.low v4, v3  }
0x34: {  	v63 =	vor.u32 $0x100E, v0;
	s5 =	sadd.s32 s31, s5;
	s7 =	sadd.s32 s7, s8;
	s8 =	smax.u32 s9, $0x1;
	v49 =	vand.u32 $0xF, v61;
	[tilespmem:$0x1FFE0] =	vst v6;
	v1 =	vand.u32 $0xF, v1  }
0x35: {  	s9 =	simm.s32 $0x2;
	s10 =	simm.s32 $0x2000;
	s6 =	sadd.s32 $0x800, s5;
	v50 =	vand.u32 $0xF, v62;
	[tilespmem:$0x1FFF0] =	vst v63;
	v47 =	vcombine.low v1, v2;
	v48 =	vand.u32 $0xF, v3  }
.LBB2_5:
0x36: {  	s19 =	sadd.s32 $0x1, s19  }
0x37: {  	p1 =	sne.s32 s19, s8  }
.Ltmp1:
0x38: {  	_ = 	snop;
	(pc) =	sbr.rel @!p1 .LBB2_6-.Ltmp1, $1  }
0x39: {  	_ =	sdelay $0x3  }
.LBB2_1:
0x3a: {  	[tilespmem:s3], [sflag:$0x2] =	stream.linear.gather [hbm4b:s4+s3], $0x2000, $0x38;
	[tilespmem:$0x4B20] =	vst v63  }
0x3b: {  	_ =	swait.ge [sflag:s9], $0x2000  }
0x3c: {  	[sflag:s9] =	ssyncset.done $0x0  }
0x3d: {  	s21 =	simm.s32 $0x0;
	[sflag:s9] =	ssyncadd.s32 $0xFFFFE000  }
0x3e: {  	v1 =	vld [tilespmem:s21+$0x0]  }
0x3f: {  	v2 =	vld [tilespmem:s21+$0x10];
	_ =	sdelay $0x1  }
0x40: {  	v3 =	vld [tilespmem:s21+$0x20]  }
0x41: {  	v4 =	vld [tilespmem:s21+$0x30]  }
0x42: {  	v5 =	vld [tilespmem:s21+$0x50]  }
0x43: {  	s20 =	simm.s32 $0x80;
	v52 =	vld [tilespmem:s21+$0x40];
	v51 =	vadd.f32 v2, v1  }
0x44: {  	v59 =	vld [tilespmem:s20+$0x0]  }
0x45: {  	v53 =	vimm.f32 $0.0e+00;
	v60 =	vld [tilespmem:s20+$0x10];
	v51 =	vadd.f32 v3, v51  }
0x46: {  	v57 =	vadd.f32 v1, v53  }
0x47: {  	v6 =	vld [tilespmem:s21+$0x60];
	v61 =	vadd.f32 v2, v53;
	v51 =	vadd.f32 v4, v51  }
0x48: {  	v58 =	vadd.f32 v3, v53;
	v1 =	vld [tilespmem:s20+$0x20];
	v55 =	vadd.f32 v4, v53  }
0x49: {  	v54 =	vadd.f32 v5, v53;
	v2 =	vld [tilespmem:s21+$0x70];
	v4 =	vadd.f32 v52, v51  }
0x4a: {  	v56 =	vadd.f32 v52, v53;
	v46 =	vadd.f32 v60, v59;
	v3 =	vld [tilespmem:s20+$0x30]  }
0x4b: {  	v62 =	vld [tilespmem:s20+$0x50];
	v57 =	vadd.f32 v59, v57;
	v59 =	vadd.f32 v5, v4  }
0x4c: {  	s22 =	simm.s32 $0x100;
	v63 =	vadd.f32 v60, v61;
	v61 =	vadd.f32 v6, v53;
	v5 =	vld [tilespmem:s20+$0x40]  }
0x4d: {  	s23 =	simm.s32 $0x600;
	v51 =	vadd.f32 v1, v46;
	v4 =	vld [tilespmem:s22+$0x0];
	v52 =	vadd.f32 v6, v59  }
.LBB2_2:
0x4e: {  	p1 =	sne.s32 s23, $0x7E00;
	v6 =	vld [tilespmem:s22+$0x10];
	v58 =	vadd.f32 v1, v58;
	v53 =	vadd.f32 v2, v53  }
0x4f: {  	v59 =	vld [tilespmem:s20+$0x60];
	v51 =	vadd.f32 v3, v51;
	v52 =	vadd.f32 v2, v52  }
0x50: {  	v55 =	vadd.f32 v3, v55;
	v1 =	vld [tilespmem:s22+$0x20];
	v54 =	vadd.f32 v62, v54  }
.Ltmp2:
0x51: {  	v2 =	vld [tilespmem:s20+$0x70];
	v51 =	vadd.f32 v5, v51;
	v56 =	vadd.f32 v5, v56;
	[tilespmem:s21+$0x2000] =	vst v52;
	s21 =	smov.u32 s20;
	s20 =	smov.u32 s22;
	(pc) =	sbr.rel @p1 .LBB2_2-.Ltmp2, $4  }
0x52: {  	v3 =	vld [tilespmem:s20+$0x30];
	v57 =	vadd.f32 v4, v57  }
0x53: {  	v52 =	vadd.f32 v6, v4;
	v60 =	vadd.f32 v62, v51;
	v62 =	vld [tilespmem:s20+$0x50]  }
0x54: {  	s22 =	sshra.s32 s23, $0x2;
	v63 =	vadd.f32 v6, v63;
	v5 =	vld [tilespmem:s20+$0x40];
	v61 =	vadd.f32 v59, v61  }
0x55: {  	s23 =	sadd.s32 $0x200, s23;
	v4 =	vld [tilespmem:s22+$0x0];
	v51 =	vadd.f32 v1, v52;
	v52 =	vadd.f32 v59, v60  }
0x56: {  	v6 =	vld [tilespmem:s22+$0x10]  }
0x57: {  	v7 =	vld [tilespmem:s20+$0x60]  }
0x58: {  	v8 =	vld [tilespmem:s22+$0x20]  }
0x59: {  	v9 =	vld [tilespmem:s20+$0x70]  }
0x5a: {  	v14 =	vld [tilespmem:$0x1FD20]  }
0x5b: {  	v15 =	vld [tilespmem:$0x1FD30]  }
0x5c: {  	v16 =	vld [tilespmem:$0x1FD40]  }
0x5d: {  	v17 =	vld [tilespmem:$0x1FD50]  }
0x5e: {  	v18 =	vld [tilespmem:$0x1FD60]  }
0x5f: {  	v19 =	vld [tilespmem:$0x1FD70]  }
0x60: {  	v20 =	vld [tilespmem:$0x1FD80]  }
0x61: {  	v21 =	vld [tilespmem:$0x1FD90]  }
0x62: {  	v22 =	vld [tilespmem:$0x1FDA0]  }
0x63: {  	v23 =	vld [tilespmem:$0x1FDB0]  }
0x64: {  	v24 =	vld [tilespmem:$0x1FDC0]  }
0x65: {  	v25 =	vld [tilespmem:$0x1FDD0]  }
0x66: {  	v26 =	vld [tilespmem:$0x1FDE0]  }
0x67: {  	v27 =	vld [tilespmem:$0x1FDF0]  }
0x68: {  	v45 =	vld [tilespmem:$0x1FE00]  }
0x69: {  	v46 =	vld [tilespmem:$0x1FE10]  }
0x6a: {  	v28 =	vld [tilespmem:$0x1FE20]  }
0x6b: {  	v29 =	vld [tilespmem:$0x1FE30]  }
0x6c: {  	v30 =	vld [tilespmem:$0x1FE40]  }
0x6d: {  	v31 =	vld [tilespmem:$0x1FE50]  }
0x6e: {  	v32 =	vld [tilespmem:$0x1FE60];
	v52 =	vadd.f32 v2, v52  }
0x6f: {  	v33 =	vld [tilespmem:$0x1FE70]  }
0x70: {  	v34 =	vld [tilespmem:$0x1FE80];
	[tilespmem:s21+$0x2000] =	vst v52  }
0x71: {  	v10 =	vld [tilespmem:s22+$0x30]  }
0x72: {  	v35 =	vld [tilespmem:$0x1FE90];
	v44 =	vadd.f32 v6, v4  }
0x73: {  	v11 =	vld [tilespmem:s22+$0x40]  }
0x74: {  	v36 =	vld [tilespmem:$0x1FEA0];
	v52 =	vadd.f32 v8, v44  }
0x75: {  	v51 =	vadd.f32 v3, v51;
	v12 =	vld [tilespmem:s22+$0x50]  }
0x76: {  	v37 =	vld [tilespmem:$0x1FEB0];
	v59 =	vadd.f32 v10, v52  }
0x77: {  	v51 =	vadd.f32 v5, v51;
	v52 =	vld [tilespmem:s22+$0x60]  }
0x78: {  	v38 =	vld [tilespmem:$0x1FEC0];
	v59 =	vadd.f32 v11, v59  }
0x79: {  	v60 =	vadd.f32 v62, v51;
	v51 =	vld [tilespmem:s22+$0x70]  }
0x7a: {  	v39 =	vld [tilespmem:$0x1FED0];
	v1 =	vadd.f32 v1, v58;
	v59 =	vadd.f32 v12, v59  }
0x7b: {  	v40 =	vld [tilespmem:$0x1FEE0];
	v2 =	vadd.f32 v2, v53;
	v60 =	vadd.f32 v7, v60  }
0x7c: {  	v41 =	vld [tilespmem:$0x1FEF0];
	v3 =	vadd.f32 v3, v55;
	v59 =	vadd.f32 v52, v59  }
0x7d: {  	v43 =	vld [tilespmem:$0x1FF00];
	v55 =	vadd.f32 v62, v54;
	v60 =	vadd.f32 v9, v60  }
0x7e: {  	v5 =	vadd.f32 v5, v56;
	v62 =	vld [tilespmem:$0x1FF30];
	v59 =	vadd.f32 v51, v59  }
0x7f: {  	v56 =	vadd.f32 v8, v1;
	v8 =	vadd.f32 v9, v2;
	v2 =	vld [tilespmem:$0x1FF40];
	[tilespmem:s20+$0x2000] =	vst v60  }
0x80: {  	v7 =	vadd.f32 v7, v61;
	v61 =	vld [tilespmem:$0x1FF60];
	[tilespmem:s22+$0x2000] =	vst v59  }
0x81: {  	v13 =	vld.idx.msk [tilespmem:v0+s10+$0x0], $0xffff  }
0x82: {  	v14 =	vld.idx.msk [tilespmem:v14+s10+$0x0], $0xffff  }
0x83: {  	v15 =	vld.idx.msk [tilespmem:v15+s10+$0x0], $0xffff  }
0x84: {  	v16 =	vld.idx.msk [tilespmem:v16+s10+$0x0], $0xffff  }
0x85: {  	v17 =	vld.idx.msk [tilespmem:v17+s10+$0x0], $0xffff  }
0x86: {  	v18 =	vld.idx.msk [tilespmem:v18+s10+$0x0], $0xffff  }
0x87: {  	v19 =	vld.idx.msk [tilespmem:v19+s10+$0x0], $0xffff  }
0x88: {  	v20 =	vld.idx.msk [tilespmem:v20+s10+$0x0], $0xffff  }
0x89: {  	v21 =	vld.idx.msk [tilespmem:v21+s10+$0x0], $0xffff  }
0x8a: {  	v22 =	vld.idx.msk [tilespmem:v22+s10+$0x0], $0xffff  }
0x8b: {  	v23 =	vld.idx.msk [tilespmem:v23+s10+$0x0], $0xffff  }
0x8c: {  	v24 =	vld.idx.msk [tilespmem:v24+s10+$0x0], $0xffff  }
0x8d: {  	v25 =	vld.idx.msk [tilespmem:v25+s10+$0x0], $0xffff  }
0x8e: {  	v26 =	vld.idx.msk [tilespmem:v26+s10+$0x0], $0xffff  }
0x8f: {  	v60 =	vld.idx.msk [tilespmem:v27+s10+$0x0], $0xffff  }
0x90: {  	v59 =	vld.idx.msk [tilespmem:v45+s10+$0x0], $0xffff  }
0x91: {  	v27 =	vld.idx.msk [tilespmem:v46+s10+$0x0], $0xffff  }
0x92: {  	v28 =	vld.idx.msk [tilespmem:v28+s10+$0x0], $0xffff  }
0x93: {  	v29 =	vld.idx.msk [tilespmem:v29+s10+$0x0], $0xffff  }
0x94: {  	v30 =	vld.idx.msk [tilespmem:v30+s10+$0x0], $0xffff  }
0x95: {  	v31 =	vld.idx.msk [tilespmem:v31+s10+$0x0], $0xffff  }
0x96: {  	v32 =	vld.idx.msk [tilespmem:v32+s10+$0x0], $0xffff  }
0x97: {  	v33 =	vld.idx.msk [tilespmem:v33+s10+$0x0], $0xffff  }
0x98: {  	v34 =	vld.idx.msk [tilespmem:v34+s10+$0x0], $0xffff  }
0x99: {  	v35 =	vld.idx.msk [tilespmem:v35+s10+$0x0], $0xffff  }
0x9a: {  	v36 =	vld.idx.msk [tilespmem:v36+s10+$0x0], $0xffff  }
0x9b: {  	v37 =	vld.idx.msk [tilespmem:v37+s10+$0x0], $0xffff  }
0x9c: {  	v38 =	vld.idx.msk [tilespmem:v38+s10+$0x0], $0xffff  }
0x9d: {  	v39 =	vld.idx.msk [tilespmem:v39+s10+$0x0], $0xffff  }
0x9e: {  	v40 =	vld.idx.msk [tilespmem:v40+s10+$0x0], $0xffff  }
0x9f: {  	v42 =	vor.u32 $0x1800, v0;
	v41 =	vld.idx.msk [tilespmem:v41+s10+$0x0], $0xffff  }
0xa0: {  	v44 =	vor.u32 $0x1801, v0;
	v43 =	vld.idx.msk [tilespmem:v43+s10+$0x0], $0xffff  }
0xa1: {  	v45 =	vld [tilespmem:$0x1FF10]  }
0xa2: {  	v58 =	vor.u32 $0x1802, v0;
	v46 =	vld [tilespmem:$0x1FF20]  }
0xa3: {  	v62 =	vld.idx.msk [tilespmem:v62+s10+$0x0], $0xffff  }
0xa4: {  	v53 =	vadd.f32 v4, v57;
	v54 =	vadd.f32 v6, v63;
	v6 =	vor.u32 $0x1803, v0;
	v4 =	vld.idx.msk [tilespmem:v42+s10+$0x0], $0xffff  }
0xa5: {  	v57 =	vadd.f32 v10, v3;
	v3 =	vor.u32 $0x1804, v0;
	v1 =	vld.idx.msk [tilespmem:v44+s10+$0x0], $0xffff  }
0xa6: {  	v2 =	vld.idx.msk [tilespmem:v2+s10+$0x0], $0xffff  }
0xa7: {  	v10 =	vld.idx.msk [tilespmem:v58+s10+$0x0], $0xffff;
	v44 =	vor.u32 $0x1805, v0  }
0xa8: {  	v42 =	vld [tilespmem:$0x1FF50]  }
0xa9: {  	v6 =	vld.idx.msk [tilespmem:v6+s10+$0x0], $0xffff  }
0xaa: {  	v3 =	vld.idx.msk [tilespmem:v3+s10+$0x0], $0xffff  }
0xab: {  	v63 =	vadd.f32 v14, v13;
	v14 =	vld.idx.msk [tilespmem:v61+s10+$0x0], $0xffff  }
0xac: {  	v55 =	vadd.f32 v12, v55;
	v12 =	vld.idx.msk [tilespmem:v44+s10+$0x0], $0xffff  }
0xad: {  	v58 =	vadd.f32 v11, v5;
	v5 =	vadd.f32 v28, v27;
	v28 =	vld [tilespmem:$0x1FF90]  }
0xae: {  	v45 =	vld.idx.msk [tilespmem:v45+s10+$0x0], $0xffff  }
0xaf: {  	v9 =	vadd.f32 v15, v63;
	v46 =	vld.idx.msk [tilespmem:v46+s10+$0x0], $0xffff  }
0xb0: {  	v1 =	vadd.f32 v1, v4;
	v4 =	vor.u32 $0x1806, v0;
	v44 =	vld [tilespmem:$0x1FFE0]  }
0xb1: {  	v27 =	vor.u32 $0x1808, v0;
	v5 =	vadd.f32 v29, v5;
	v63 =	vld [tilespmem:$0x1FF70];
	v9 =	vadd.f32 v16, v9  }
0xb2: {  	v29 =	vld [tilespmem:$0x1FFA0]  }
0xb3: {  	v5 =	vadd.f32 v30, v5;
	v9 =	vadd.f32 v17, v9;
	v17 =	vld [tilespmem:$0x1FF80]  }
0xb4: {  	v1 =	vadd.f32 v10, v1;
	v11 =	vld.idx.msk [tilespmem:v42+s10+$0x0], $0xffff;
	v46 =	vadd.f32 v46, v45  }
0xb5: {  	v16 =	vor.u32 $0x1807, v0;
	v4 =	vld.idx.msk [tilespmem:v4+s10+$0x0], $0xffff;
	v5 =	vadd.f32 v31, v5  }
0xb6: {  	v1 =	vadd.f32 v6, v1;
	v6 =	vld.idx.msk [tilespmem:v27+s10+$0x0], $0xffff;
	v13 =	vadd.f32 v62, v46  }
0xb7: {  	v31 =	vld [tilespmem:$0x1FFB0];
	v5 =	vadd.f32 v32, v5  }
0xb8: {  	v32 =	vld [tilespmem:$0x1FFC0];
	v2 =	vadd.f32 v2, v13  }
0xb9: {  	v15 =	vld.idx.msk [tilespmem:v63+s10+$0x0], $0xffff;
	v5 =	vadd.f32 v33, v5  }
0xba: {  	v9 =	vadd.f32 v18, v9;
	v10 =	vld.idx.msk [tilespmem:v16+s10+$0x0], $0xffff;
	v2 =	vadd.f32 v11, v2  }
0xbb: {  	v1 =	vadd.f32 v3, v1;
	v3 =	vor.u32 $0x1809, v0;
	v5 =	vadd.f32 v34, v5;
	v13 =	vld.idx.msk [tilespmem:v17+s10+$0x0], $0xffff  }
0xbc: {  	v9 =	vadd.f32 v19, v9;
	v11 =	vld.idx.msk [tilespmem:v28+s10+$0x0], $0xffff;
	v2 =	vadd.f32 v14, v2  }
0xbd: {  	v30 =	vor.u32 $0x180A, v0;
	v1 =	vadd.f32 v12, v1;
	v5 =	vadd.f32 v35, v5;
	v35 =	vld [tilespmem:$0x1FFD0]  }
0xbe: {  	v46 =	vld [tilespmem:$0x1FFF0];
	v9 =	vadd.f32 v20, v9;
	v2 =	vadd.f32 v15, v2  }
0xbf: {  	v1 =	vadd.f32 v4, v1;
	v4 =	vor.u32 $0x180B, v0;
	v14 =	vld.idx.msk [tilespmem:v29+s10+$0x0], $0xffff  }
0xc0: {  	v3 =	vld.idx.msk [tilespmem:v3+s10+$0x0], $0xffff;
	v9 =	vadd.f32 v21, v9;
	v2 =	vadd.f32 v13, v2  }
0xc1: {  	v33 =	vor.u32 $0x180C, v0;
	v1 =	vadd.f32 v10, v1;
	v15 =	vld.idx.msk [tilespmem:v31+s10+$0x0], $0xffff  }
0xc2: {  	v34 =	vld.idx.msk [tilespmem:v30+s10+$0x0], $0xffff;
	v9 =	vadd.f32 v22, v9;
	v2 =	vadd.f32 v11, v2  }
0xc3: {  	v5 =	vadd.f32 v36, v5;
	v1 =	vadd.f32 v6, v1;
	v36 =	vor.u32 $0x180D, v0;
	v13 =	vld.idx.msk [tilespmem:v32+s10+$0x0], $0xffff  }
0xc4: {  	v4 =	vld.idx.msk [tilespmem:v4+s10+$0x0], $0xffff;
	v9 =	vadd.f32 v23, v9;
	v2 =	vadd.f32 v14, v2  }
0xc5: {  	v5 =	vadd.f32 v37, v5;
	v1 =	vadd.f32 v3, v1;
	v3 =	vor.u32 $0x180E, v0;
	v12 =	vld.idx.msk [tilespmem:v35+s10+$0x0], $0xffff  }
0xc6: {  	v42 =	vor.u32 $0x100F, v0;
	v10 =	vld.idx.msk [tilespmem:v33+s10+$0x0], $0xffff;
	v9 =	vadd.f32 v24, v9;
	v2 =	vadd.f32 v15, v2  }
0xc7: {  	v45 =	vor.u32 $0x180F, v0;
	v16 =	vld.idx.msk [tilespmem:v44+s10+$0x0], $0xffff;
	v5 =	vadd.f32 v38, v5;
	v1 =	vadd.f32 v34, v1  }
0xc8: {  	v6 =	vld.idx.msk [tilespmem:v36+s10+$0x0], $0xffff;
	v9 =	vadd.f32 v25, v9;
	v2 =	vadd.f32 v13, v2  }
0xc9: {  	v11 =	vld.idx.msk [tilespmem:v46+s10+$0x0], $0xffff;
	v5 =	vadd.f32 v39, v5;
	v1 =	vadd.f32 v4, v1  }
0xca: {  	v3 =	vld.idx.msk [tilespmem:v3+s10+$0x0], $0xffff;
	v9 =	vadd.f32 v26, v9;
	v2 =	vadd.f32 v12, v2  }
0xcb: {  	v4 =	vld.idx.msk [tilespmem:v42+s10+$0x0], $0xffff;
	v5 =	vadd.f32 v40, v5;
	v1 =	vadd.f32 v10, v1  }
0xcc: {  	v61 =	vld.idx.msk [tilespmem:v45+s10+$0x0], $0xffff;
	[tilespmem:$0x4000] =	vst v53;
	v9 =	vadd.f32 v60, v9;
	v2 =	vadd.f32 v16, v2  }
0xcd: {  	[tilespmem:$0x4010] =	vst v54;
	v5 =	vadd.f32 v41, v5;
	v1 =	vadd.f32 v6, v1  }
0xce: {  	[tilespmem:$0x4020] =	vst v56;
	v62 =	vadd.f32 v59, v9;
	v63 =	vadd.f32 v11, v2  }
0xcf: {  	[tilespmem:$0x4030] =	vst v57;
	v5 =	vadd.f32 v43, v5;
	v1 =	vadd.f32 v3, v1  }
0xd0: {  	[tilespmem:$0x4040] =	vst v58;
	v3 =	vadd.f32 v51, v8;
	v6 =	vmax.f32 v62, $0.0e+00;
	v4 =	vadd.f32 v4, v63  }
0xd1: {  	[tilespmem:$0x4050] =	vst v55;
	v1 =	vadd.f32 v61, v1;
	v5 =	vmax.f32 v6, v5;
	v2 =	vadd.f32 v52, v7  }
0xd2: {  	[tilespmem:$0x4070] =	vst v3;
	v4 =	vmax.f32 v5, v4  }
0xd3: {  	[tilespmem:$0x4060] =	vst v2;
	v1 =	vmax.f32 v4, v1  }
0xd4: {  	[tilespmem:$0x4080] =	vst v1  }
0xd5: {  	[spmem:s5] =	stream.strided.scatter [tilespmem:s13], [sflag:$0x2], $0x100, s12, s11, $0x38;
	[tilespmem:$0x4B20] =	vst v63  }
.Ltmp3:
0xd6: {  	_ =	swait.ge [sflag:s9], $0x100;
	(pc) =	sbr.rel @p0 .LBB2_5-.Ltmp3, $3  }
0xd7: {  	[sflag:s9] =	ssyncset.done $0x0  }
0xd8: {  	[sflag:s9] =	ssyncadd.s32 $0xFFFFFF00  }
0xd9: {  	[bflag:$0x0] =	sbarrier.arrive $0xFFFF;
	_ =	sdelay $0x1  }
0xda: {  	[tilespmem:s13], [sflag:$0x2] =	stream.strided.gather [spmem:s6], $0x100, s12, s11, $0x38;
	[tilespmem:$0x4B20] =	vst v63  }
0xdb: {  	_ =	swait.ge [sflag:s9], $0x100  }
0xdc: {  	[sflag:s9] =	ssyncset.done $0x0  }
0xdd: {  	[sflag:s9] =	ssyncadd.s32 $0xFFFFFF00  }
0xde: {  	v4 =	vld [tilespmem:$0x4000]  }
0xdf: {  	v5 =	vld [tilespmem:$0x4010]  }
0xe0: {  	v6 =	vld [tilespmem:$0x4020]  }
0xe1: {  	v7 =	vld [tilespmem:$0x4030]  }
0xe2: {  	v8 =	vld [tilespmem:$0x4040]  }
0xe3: {  	v9 =	vld [tilespmem:$0x4050]  }
0xe4: {  	v10 =	vld [tilespmem:$0x4060];
	v4 =	vadd.f32 v4, v53;
	v5 =	vadd.f32 v5, v54  }
0xe5: {  	v11 =	vld [tilespmem:$0x4070];
	v6 =	vadd.f32 v6, v56  }
0xe6: {  	v56 =	vadd.f32 v7, v57;
	v4 =	vmax.f32 v4, v5  }
0xe7: {  	v57 =	vadd.f32 v8, v58;
	v4 =	vmax.f32 v4, v6  }
0xe8: {  	v58 =	vadd.f32 v9, v55;
	v4 =	vmax.f32 v4, v56  }
0xe9: {  	v2 =	vadd.f32 v10, v2;
	v4 =	vmax.f32 v4, v57  }
0xea: {  	v3 =	vadd.f32 v11, v3;
	v4 =	vmax.f32 v4, v58  }
0xeb: {  	v2 =	vmax.f32 v4, v2  }
0xec: {  	v2 =	vmax.f32 v2, v3  }
0xed: {  	[tilespmem:$0x4100] =	vst v2  }
0xee: {  	v3 =	vld.idx.msk [tilespmem:v47+s14+$0x0], $0xffff;
	_ =	sdelay $0x4  }
0xef: {  	v2 =	vmax.f32 v2, v3  }
0xf0: {  	[tilespmem:$0x4100] =	vst v2  }
0xf1: {  	v3 =	vld.idx.msk [tilespmem:v48+s14+$0x0], $0xffff;
	_ =	sdelay $0x4  }
0xf2: {  	v2 =	vmax.f32 v2, v3  }
0xf3: {  	[tilespmem:$0x4100] =	vst v2  }
0xf4: {  	v3 =	vld.idx.msk [tilespmem:v49+s14+$0x0], $0xffff  }
0xf5: {  	v59 =	vld [tilespmem:$0x4080];
	_ =	sdelay $0x3  }
0xf6: {  	v2 =	vmax.f32 v2, v3  }
0xf7: {  	v1 =	vmax.f32 v1, v59;
	[tilespmem:$0x4100] =	vst v2  }
0xf8: {  	v3 =	vld.idx.msk [tilespmem:v50+s14+$0x0], $0xffff;
	[tilespmem:$0x4100] =	vst v1  }
0xf9: {  	v60 =	vld.idx.msk [tilespmem:v47+s14+$0x0], $0xffff;
	_ =	sdelay $0x4  }
0xfa: {  	v1 =	vmax.f32 v1, v60  }
0xfb: {  	[tilespmem:$0x4100] =	vst v1  }
0xfc: {  	v61 =	vld.idx.msk [tilespmem:v48+s14+$0x0], $0xffff;
	_ =	sdelay $0x4  }
0xfd: {  	v1 =	vmax.f32 v1, v61  }
0xfe: {  	[tilespmem:$0x4100] =	vst v1  }
0xff: {  	v62 =	vld.idx.msk [tilespmem:v49+s14+$0x0], $0xffff;
	_ =	sdelay $0x4  }
0x100: {  	v1 =	vmax.f32 v1, v62  }
0x101: {  	[tilespmem:$0x4100] =	vst v1  }
0x102: {  	v63 =	vld.idx.msk [tilespmem:v50+s14+$0x0], $0xffff;
	_ =	sdelay $0x3  }
0x103: {  	v2 =	vmax.f32 v2, v3  }
0x104: {  	v2 =	vtrunc.f32 v2;
	v1 =	vmax.f32 v1, v63  }
0x105: {  	v2 =	vcvt.f32.s32 v2;
	v1 =	vtrunc.f32 v1  }
0x106: {  	v1 =	vcvt.f32.s32 v1  }
0x107: {  	vm0 =	vgt.s32 v2, $0x0  }
0x108: {  	v2 =	vnsel vm0, $0x0, v2;
	vm15 =	vgt.s32 v1, $0x0  }
0x109: {  	v2 =	vmin.u32 v2, $0x7F;
	v1 =	vnsel vm15, $0x0, v1  }
0x10a: {  	v2 =	vshll.u32 v2, $0x7;
	v1 =	vmin.u32 v1, $0x7F  }
0x10b: {  	v1 =	vor.u32 v2, v1  }
0x10c: {  	[tilespmem:$0x4180] =	vst v1  }
0x10d: {  	[tilespmem:s17], [sflag:$0x1] =	stream.indirect.gather [hbm4b:s0+s15], $0x80, s16, s15, $0xb8;
	[tilespmem:$0x4B20] =	vst v63  }
0x10e: {  	_ =	swait.ge [sflag:s18], $0x800  }
0x10f: {  	[sflag:s18] =	ssyncset.done $0x0  }
.Ltmp4:
0x110: {  	[sflag:s18] =	ssyncadd.s32 $0xFFFFF800;
	(pc) =	sbr.rel .LBB2_5-.Ltmp4, $4  }
0x111: {  	[hbm4b:s7+s3] =	stream.linear.scatter [tilespmem:s17], [sflag:$0x2], $0x80, $0x38;
	[tilespmem:$0x4B20] =	vst v63  }
0x112: {  	_ =	swait.ge [sflag:s9], $0x80  }
0x113: {  	[sflag:s9] =	ssyncset.done $0x0  }
0x114: {  	[sflag:s9] =	ssyncadd.s32 $0xFFFFFF80  }
.LBB2_6:
0x115: {  	_ =	sfence.sel $0x180000  }
0x116: {  	[bflag:$0x0] =	sbarrier.arrive $0xFFFF  }
0x117: {  	p0 =	sne.s32 s2, $0x0;
	_ =	strace $0x90000047  }
0x118: {  	s0 =	sadd.s32 @!p0 $0x100000, s1;
	[bflag:$0x2] =	sbarrier.arrive $0xFFFF  }
0x119: {  	[sflag:s0] =	ssyncadd.tile.s32 @!p0 $0x1;
	_ =	shalt  }
.Lfunc_end2:
_tile_overlayer_lowered:
.L_overlay_start_2:
0x11a: {  	(tag) =	ssettag $0x2  }
0x11b: {  	s0 =	rddreg [dreg:$0x0];
	s2 =	stileid.u32  }
0x11c: {  	s1 =	rddreg [dreg:$0x1];
	p0 =	sne.s32 s2, $0x0  }
0x11d: {  	s3 =	rddreg [dreg:$0x2];
	[bflag:$0x3] =	sbarrier.arrive $0xFFFF;
	s2 =	simm.s32 @!p0 $0x1C02  }
0x11e: {  	[timem:s3], [sflag:s2] =	dma.local @!p0 [hbm:s0], s1  }
0x11f: {  	s0 =	simm.s32 @!p0 $0x2  }
0x120: {  	_ =	swait.ge @!p0 [sflag:s0], s1  }
0x121: {  	s1 =	ssub.s32 @!p0 $0x0, s1;
	[sflag:s0] =	ssyncset.done @!p0 $0x0  }
0x122: {  	[sflag:s0] =	ssyncadd.s32 @!p0 s1  }
0x123: {  	[bflag:$0x3] =	sbarrier.arrive $0xFFFF  }
0x124: {  	_ =	shalt  }

</sc_bundles>
